<compile_context>
chip_gen: v7x
topology: tpu7x:2x2x1
jax: 0.10.2.dev20260603
libtpu: 0.0.44.dev20260713+nightly
codegen_flags: <defaults>
</compile_context>

<pallas_src>
import jax
import jax.numpy as jnp
from jax import lax
from jax.experimental import pallas as pl
from jax.experimental.pallas import tpu as pltpu
from jax.experimental.pallas import tpu_sc as plsc

B, C, H, W, K = 32, 768, 56, 56, 64
HW = H * W
SCH = 1568
NCHM = HW // SCH
NC, NS = 2, 16
NW = NC * NS
SEG = 16
NG = K // SEG



def _mean_body(x_ref, y_ref):
    s = pl.program_id(1)
    part = jnp.sum(x_ref[0], axis=0)

    @pl.when(s == 0)
    def _():
        y_ref[0, 0, :] = part

    @pl.when(s != 0)
    def _():
        y_ref[0, 0, :] = y_ref[0, 0, :] + part

    @pl.when(s == NCHM - 1)
    def _():
        y_ref[0, 0, :] = y_ref[0, 0, :] * (1.0 / HW)


def _spatial_mean(xt):
    y = pl.pallas_call(
        _mean_body,
        grid=(B, NCHM),
        in_specs=[pl.BlockSpec((1, SCH, C), lambda b, s: (b, s, 0))],
        out_specs=pl.BlockSpec((1, 1, C), lambda b, s: (b, 0, 0)),
        out_shape=jax.ShapeDtypeStruct((B, 1, C), jnp.float32),
    )(xt)
    return y.reshape(B, C)



def _select_body(y2_ref, cidx_ref, vals_ref):
    v = y2_ref[...]
    vb = lax.bitcast_convert_type(v, jnp.int32)
    lo = jnp.zeros((B, 1), jnp.int32)
    hi = jnp.full((B, 1), 0x3F800000, jnp.int32)
    for _ in range(31):
        mid = (lo + hi) >> 1
        cnt = jnp.sum((vb > mid).astype(jnp.int32), axis=1, keepdims=True)
        pred = cnt >= K
        lo = jnp.where(pred, mid, lo)
        hi = jnp.where(pred, hi, mid)
    tau = hi
    gt = vb > tau
    eq = vb == tau
    ngt = jnp.sum(gt.astype(jnp.int32), axis=1, keepdims=True)
    jj = lax.broadcasted_iota(jnp.int32, (C, C), 0)
    ii = lax.broadcasted_iota(jnp.int32, (C, C), 1)
    m = (jj < ii).astype(jnp.float32)
    dn = (((1,), (0,)), ((), ()))
    eqcum = lax.dot_general(eq.astype(jnp.float32), m, dn,
                            preferred_element_type=jnp.float32)
    sel = gt | (eq & (eqcum.astype(jnp.int32) < (K - ngt)))
    pos = lax.dot_general(sel.astype(jnp.float32), m, dn,
                          preferred_element_type=jnp.float32)
    q = jnp.where(sel, pos.astype(jnp.int32), -1)
    kk = lax.broadcasted_iota(jnp.int32, (B, K, C), 1)
    oh = q[:, None, :] == kk
    chan = lax.broadcasted_iota(jnp.int32, (B, K, C), 2)
    cidx_ref[...] = jnp.sum(jnp.where(oh, chan, 0), axis=2)
    vals_ref[...] = jnp.sum(
        jnp.where(oh, jnp.broadcast_to(v[:, None, :], (B, K, C)), 0.0),
        axis=2)


def _select(y2):
    return pl.pallas_call(
        _select_body,
        out_shape=[jax.ShapeDtypeStruct((B, K), jnp.int32),
                   jax.ShapeDtypeStruct((B, K), jnp.float32)],
    )(y2)



TILE_W = 8 * C
NTR = HW // 8
CTR = 7
CHW = CTR * TILE_W
OTILE_W = 8 * 128
OCH = CTR * OTILE_W
NCHK = NTR // CTR


def _gather_body(xf_hbm, cidx_hbm, vals_hbm, out_hbm,
                 idx_v, val_v, rows_v, outb_v, g0, g1, o0, o1):
    cid = lax.axis_index("c")
    sid = lax.axis_index("s")
    wid = sid * NC + cid
    pltpu.sync_copy(cidx_hbm.at[wid], idx_v)
    pltpu.sync_copy(vals_hbm.at[wid], val_v)

    def _choff(g):
        ch = idx_v[pl.ds(g * SEG, SEG)]
        return (ch >> 7) * 1024 + (ch & 127)
    choff_g = [_choff(g) for g in range(NG)]
    val_g = [val_v[pl.ds(g * SEG, SEG)] for g in range(NG)]

    def start_gather(c, buf, sem):
        return pltpu.async_copy(
            xf_hbm.at[wid, pl.ds(c * CHW, CHW)], rows_v.at[buf], sem)

    def start_out(c, buf, sem):
        return pltpu.async_copy(
            outb_v.at[buf], out_hbm.at[wid, pl.ds(c * OCH, OCH)], sem)

    def process(br, bo):
        rows = rows_v.at[br]
        outb = outb_v.at[bo]

        @plsc.parallel_loop(0, 8 * CTR, unroll=8)
        def _(r):
            base = (r >> 3) * TILE_W + (r & 7) * 128
            obase = (r >> 3) * OTILE_W + (r & 7) * 128
            bsp = jnp.full((SEG,), base, jnp.int32)
            for g in range(NG):
                got = plsc.load_gather(rows, [bsp + choff_g[g]])
                outb[pl.ds(obase + g * SEG, SEG)] = got * val_g[g]

    start_gather(0, 0, g0)

    def t_body(t, _):
        c0 = 2 * t
        start_gather(c0 + 1, 1, g1)
        pltpu.make_async_copy(xf_hbm.at[wid, pl.ds(0, CHW)],
                              rows_v.at[0], g0).wait()

        @pl.when(t > 0)
        def _():
            pltpu.make_async_copy(outb_v.at[0],
                                  out_hbm.at[wid, pl.ds(0, OCH)], o0).wait()

        process(0, 0)
        start_out(c0, 0, o0)

        @pl.when(t < NCHK // 2 - 1)
        def _():
            start_gather(c0 + 2, 0, g0)

        pltpu.make_async_copy(xf_hbm.at[wid, pl.ds(0, CHW)],
                              rows_v.at[1], g1).wait()

        @pl.when(t > 0)
        def _():
            pltpu.make_async_copy(outb_v.at[1],
                                  out_hbm.at[wid, pl.ds(0, OCH)], o1).wait()

        process(1, 1)
        start_out(c0 + 1, 1, o1)
        return 0

    lax.fori_loop(0, NCHK // 2, t_body, 0)
    pltpu.make_async_copy(outb_v.at[0], out_hbm.at[wid, pl.ds(0, OCH)], o0).wait()
    pltpu.make_async_copy(outb_v.at[1], out_hbm.at[wid, pl.ds(0, OCH)], o1).wait()


def _gather(xf, cidx, vals):
    call = pl.kernel(
        _gather_body,
        out_type=jax.ShapeDtypeStruct((B, NTR * OTILE_W), jnp.float32),
        mesh=plsc.VectorSubcoreMesh(core_axis_name="c", subcore_axis_name="s",
                                    num_cores=NC, num_subcores=NS),
        compiler_params=pltpu.CompilerParams(use_tc_tiling_on_sc=False,
                                             needs_layout_passes=False),
        scratch_types=[
            pltpu.VMEM((K,), jnp.int32),
            pltpu.VMEM((K,), jnp.float32),
            pltpu.VMEM((2, CHW), jnp.float32),
            pltpu.VMEM((2, OCH), jnp.float32),
            pltpu.SemaphoreType.DMA,
            pltpu.SemaphoreType.DMA,
            pltpu.SemaphoreType.DMA,
            pltpu.SemaphoreType.DMA,
        ],
    )
    return call(xf, cidx, vals)


def kernel(x, W1, W2):
    xt = jnp.transpose(x, (0, 2, 3, 1)).reshape(B, HW, C)
    y = jnp.mean(x, axis=(2, 3))
    h = jax.nn.relu(y @ W1.T)
    y2 = jax.nn.sigmoid(h @ W2.T)
    cidx, vals = _select(y2)
    xq = xt.reshape(B, NTR, 8, C // 128, 128)
    xf = jnp.transpose(xq, (0, 1, 3, 2, 4)).reshape(B, NTR * TILE_W)
    out2 = _gather(xf, cidx, vals)
    o5 = out2.reshape(B, H, W // 8, 8, 128)
    o6 = jnp.transpose(o5, (0, 4, 1, 2, 3))[:, :K]
    return o6.reshape(B, K, H, W)

# --- scband reference (transcript-rebuilt; emitter-appended) ---
"""Pipeline reference for scband-seattention-56916906606884 (READ-ONLY COPY).

The authoritative reference and input builder live on the scoring server;
editing this copy changes nothing except your own understanding.
"""

import jax, jax.numpy as jnp
import numpy as np

B, C, H, W, K, RED = 32, 768, 56, 56, 64, 3

def setup_inputs(seed: int = 0) -> dict:
    key = jax.random.key(seed)
    k1, k2, k3 = jax.random.split(key, 3)
    x = jax.random.normal(k1, (B, C, H, W), dtype=jnp.float32)
    # nn.Linear weights: (out_features, in_features), init.normal_(std=0.001)
    W1 = jax.random.normal(k2, (C // RED, C), dtype=jnp.float32) * 0.001
    W2 = jax.random.normal(k3, (C, C // RED), dtype=jnp.float32) * 0.001
    return {"x": x, "W1": W1, "W2": W2}

def reference(x, W1, W2):
    b, c = x.shape[0], x.shape[1]
    # AdaptiveAvgPool2d(1) -> mean over spatial dims
    y = jnp.mean(x, axis=(2, 3))  # [B, C]
    h = jax.nn.relu(y @ W1.T)      # [B, C//r]
    y2 = jax.nn.sigmoid(h @ W2.T)  # [B, C]
    topk_values, topk_indices = jax.lax.top_k(y2, K)  # descending values
    # sort selected channel indices ascending (torch.argsort on indices)
    sort_order = jnp.argsort(topk_indices, axis=1)
    sorted_topk_indices = jnp.take_along_axis(topk_indices, sort_order, axis=1)
    sorted_topk_values = jnp.take_along_axis(topk_values, sort_order, axis=1)
    batch_indices = jnp.arange(b)[:, None]
    new_output = x[batch_indices, sorted_topk_indices]  # [B, K, H, W]
    return new_output * sorted_topk_values[:, :, None, None]

if __name__ == "__main__":
    import jax
    _d = setup_inputs()
    print(jax.jit(kernel)(*tuple(_d.values())))

</pallas_src>

<mosaic_0001>
#map = affine_map<(d0, d1) -> (0, 0)>
module attributes {stable_mosaic.version = 14 : i64} {
  func.func @_gather_body(%arg0: i32, %arg1: i32, %arg2: memref<32x2408448xf32, #tpu.memory_space<hbm>>, %arg3: memref<32x64xi32, #tpu.memory_space<hbm>>, %arg4: memref<32x64xf32, #tpu.memory_space<hbm>>, %arg5: memref<32x401408xf32, #tpu.memory_space<hbm>>, %arg6: memref<64xi32, #tpu.memory_space<vmem>>, %arg7: memref<64xf32, #tpu.memory_space<vmem>>, %arg8: memref<2x43008xf32, #tpu.memory_space<vmem>>, %arg9: memref<2x7168xf32, #tpu.memory_space<vmem>>, %arg10: memref<!tpu.dma_semaphore, #tpu.memory_space<semaphore_mem>>, %arg11: memref<!tpu.dma_semaphore, #tpu.memory_space<semaphore_mem>>, %arg12: memref<!tpu.dma_semaphore, #tpu.memory_space<semaphore_mem>>, %arg13: memref<!tpu.dma_semaphore, #tpu.memory_space<semaphore_mem>>) attributes {dimension_semantics = [#tpu.dimension_semantics<core_parallel>, #tpu.dimension_semantics<subcore_parallel>], iteration_bounds = array<i64: 2, 16>, scalar_prefetch = 0 : i64, scratch_operands = 8 : i64, tpu.core_type = #tpu.core_type<sc_vector_subcore>, window_params = [{transform_indices = #map}, {transform_indices = #map}, {transform_indices = #map}, {transform_indices = #map}]} {
    %mul3A = arith.constant 2 : i32
    %mul3A_0 = arith.muli %arg1, %mul3A : i32
    %add3A = arith.addi %mul3A_0, %arg0 : i32
    "tpu.region"() ({
      %run_scoped3A = tpu.sem_alloc : memref<!tpu.dma_semaphore, #tpu.memory_space<semaphore_mem>>
      %dma_start3A_97 = arith.constant 0 : i32
      %dma_start3A_98 = tpu.memref_slice %arg3[%add3A, %dma_start3A_97] : memref<32x64xi32, #tpu.memory_space<hbm>> -> memref<1x64xi32, #tpu.memory_space<hbm>>
      %dma_start3A_99 = tpu.memref_squeeze %dma_start3A_98 : memref<1x64xi32, #tpu.memory_space<hbm>> -> memref<64xi32, #tpu.memory_space<hbm>>
      %dma_start3A_100 = arith.constant 0 : i32
      %dma_start3A_101 = tpu.memref_slice %arg3[%add3A, %dma_start3A_100] : memref<32x64xi32, #tpu.memory_space<hbm>> -> memref<1x64xi32, #tpu.memory_space<hbm>>
      %dma_start3A_102 = tpu.memref_squeeze %dma_start3A_101 : memref<1x64xi32, #tpu.memory_space<hbm>> -> memref<64xi32, #tpu.memory_space<hbm>>
      tpu.enqueue_dma source(%dma_start3A_102 : memref<64xi32, #tpu.memory_space<hbm>>) target(%arg6 : memref<64xi32, #tpu.memory_space<vmem>>) target_semaphore(%run_scoped3A : memref<!tpu.dma_semaphore, #tpu.memory_space<semaphore_mem>>)
      %dma_wait3A_103 = arith.constant 0 : i32
      %dma_wait3A_104 = tpu.memref_slice %arg3[%add3A, %dma_wait3A_103] : memref<32x64xi32, #tpu.memory_space<hbm>> -> memref<1x64xi32, #tpu.memory_space<hbm>>
      %dma_wait3A_105 = tpu.memref_squeeze %dma_wait3A_104 : memref<1x64xi32, #tpu.memory_space<hbm>> -> memref<64xi32, #tpu.memory_space<hbm>>
      %dma_wait3A_106 = arith.constant 0 : i32
      %dma_wait3A_107 = tpu.memref_slice %arg3[%add3A, %dma_wait3A_106] : memref<32x64xi32, #tpu.memory_space<hbm>> -> memref<1x64xi32, #tpu.memory_space<hbm>>
      %dma_wait3A_108 = tpu.memref_squeeze %dma_wait3A_107 : memref<1x64xi32, #tpu.memory_space<hbm>> -> memref<64xi32, #tpu.memory_space<hbm>>
      tpu.wait_dma2 semaphore(%run_scoped3A : memref<!tpu.dma_semaphore, #tpu.memory_space<semaphore_mem>>) src(%dma_wait3A_108 : memref<64xi32, #tpu.memory_space<hbm>>) dst(%arg6 : memref<64xi32, #tpu.memory_space<vmem>>)
      tpu.yield
    }) : () -> ()
    "tpu.region"() ({
      %run_scoped3A = tpu.sem_alloc : memref<!tpu.dma_semaphore, #tpu.memory_space<semaphore_mem>>
      %dma_start3A_97 = arith.constant 0 : i32
      %dma_start3A_98 = tpu.memref_slice %arg4[%add3A, %dma_start3A_97] : memref<32x64xf32, #tpu.memory_space<hbm>> -> memref<1x64xf32, #tpu.memory_space<hbm>>
      %dma_start3A_99 = tpu.memref_squeeze %dma_start3A_98 : memref<1x64xf32, #tpu.memory_space<hbm>> -> memref<64xf32, #tpu.memory_space<hbm>>
      %dma_start3A_100 = arith.constant 0 : i32
      %dma_start3A_101 = tpu.memref_slice %arg4[%add3A, %dma_start3A_100] : memref<32x64xf32, #tpu.memory_space<hbm>> -> memref<1x64xf32, #tpu.memory_space<hbm>>
      %dma_start3A_102 = tpu.memref_squeeze %dma_start3A_101 : memref<1x64xf32, #tpu.memory_space<hbm>> -> memref<64xf32, #tpu.memory_space<hbm>>
      tpu.enqueue_dma source(%dma_start3A_102 : memref<64xf32, #tpu.memory_space<hbm>>) target(%arg7 : memref<64xf32, #tpu.memory_space<vmem>>) target_semaphore(%run_scoped3A : memref<!tpu.dma_semaphore, #tpu.memory_space<semaphore_mem>>)
      %dma_wait3A_103 = arith.constant 0 : i32
      %dma_wait3A_104 = tpu.memref_slice %arg4[%add3A, %dma_wait3A_103] : memref<32x64xf32, #tpu.memory_space<hbm>> -> memref<1x64xf32, #tpu.memory_space<hbm>>
      %dma_wait3A_105 = tpu.memref_squeeze %dma_wait3A_104 : memref<1x64xf32, #tpu.memory_space<hbm>> -> memref<64xf32, #tpu.memory_space<hbm>>
      %dma_wait3A_106 = arith.constant 0 : i32
      %dma_wait3A_107 = tpu.memref_slice %arg4[%add3A, %dma_wait3A_106] : memref<32x64xf32, #tpu.memory_space<hbm>> -> memref<1x64xf32, #tpu.memory_space<hbm>>
      %dma_wait3A_108 = tpu.memref_squeeze %dma_wait3A_107 : memref<1x64xf32, #tpu.memory_space<hbm>> -> memref<64xf32, #tpu.memory_space<hbm>>
      tpu.wait_dma2 semaphore(%run_scoped3A : memref<!tpu.dma_semaphore, #tpu.memory_space<semaphore_mem>>) src(%dma_wait3A_108 : memref<64xf32, #tpu.memory_space<hbm>>) dst(%arg7 : memref<64xf32, #tpu.memory_space<vmem>>)
      tpu.yield
    }) : () -> ()
    %get3A = arith.constant 0 : index
    %get3A_1 = tpu.vector_load %arg6[%get3A] {strides = array<i32>} : memref<64xi32, #tpu.memory_space<vmem>>, vector<16xi32>,
    %shift_right_arithmetic3A = arith.constant 7 : i32
    %shift_right_arithmetic3A_2 = vector.broadcast %shift_right_arithmetic3A : i32 to vector<16xi32>
    %shift_right_arithmetic3A_3 = arith.shrsi %get3A_1, %shift_right_arithmetic3A_2 : vector<16xi32>
    %mul3A_4 = arith.constant 1024 : i32
    %mul3A_5 = vector.broadcast %mul3A_4 : i32 to vector<16xi32>
    %mul3A_6 = arith.muli %shift_right_arithmetic3A_3, %mul3A_5 : vector<16xi32>
    %and3A = arith.constant 127 : i32
    %and3A_7 = vector.broadcast %and3A : i32 to vector<16xi32>
    %and3A_8 = arith.andi %get3A_1, %and3A_7 : vector<16xi32>
    %add3A_9 = arith.addi %mul3A_6, %and3A_8 : vector<16xi32>
    %get3A_10 = arith.constant 16 : index
    %get3A_11 = tpu.vector_load %arg6[%get3A_10] {strides = array<i32>} : memref<64xi32, #tpu.memory_space<vmem>>, vector<16xi32>,
    %shift_right_arithmetic3A_12 = arith.constant 7 : i32
    %shift_right_arithmetic3A_13 = vector.broadcast %shift_right_arithmetic3A_12 : i32 to vector<16xi32>
    %shift_right_arithmetic3A_14 = arith.shrsi %get3A_11, %shift_right_arithmetic3A_13 : vector<16xi32>
    %mul3A_15 = arith.constant 1024 : i32
    %mul3A_16 = vector.broadcast %mul3A_15 : i32 to vector<16xi32>
    %mul3A_17 = arith.muli %shift_right_arithmetic3A_14, %mul3A_16 : vector<16xi32>
    %and3A_18 = arith.constant 127 : i32
    %and3A_19 = vector.broadcast %and3A_18 : i32 to vector<16xi32>
    %and3A_20 = arith.andi %get3A_11, %and3A_19 : vector<16xi32>
    %add3A_21 = arith.addi %mul3A_17, %and3A_20 : vector<16xi32>
    %get3A_22 = arith.constant 32 : index
    %get3A_23 = tpu.vector_load %arg6[%get3A_22] {strides = array<i32>} : memref<64xi32, #tpu.memory_space<vmem>>, vector<16xi32>,
    %shift_right_arithmetic3A_24 = arith.constant 7 : i32
    %shift_right_arithmetic3A_25 = vector.broadcast %shift_right_arithmetic3A_24 : i32 to vector<16xi32>
    %shift_right_arithmetic3A_26 = arith.shrsi %get3A_23, %shift_right_arithmetic3A_25 : vector<16xi32>
    %mul3A_27 = arith.constant 1024 : i32
    %mul3A_28 = vector.broadcast %mul3A_27 : i32 to vector<16xi32>
    %mul3A_29 = arith.muli %shift_right_arithmetic3A_26, %mul3A_28 : vector<16xi32>
    %and3A_30 = arith.constant 127 : i32
    %and3A_31 = vector.broadcast %and3A_30 : i32 to vector<16xi32>
    %and3A_32 = arith.andi %get3A_23, %and3A_31 : vector<16xi32>
    %add3A_33 = arith.addi %mul3A_29, %and3A_32 : vector<16xi32>
    %get3A_34 = arith.constant 48 : index
    %get3A_35 = tpu.vector_load %arg6[%get3A_34] {strides = array<i32>} : memref<64xi32, #tpu.memory_space<vmem>>, vector<16xi32>,
    %shift_right_arithmetic3A_36 = arith.constant 7 : i32
    %shift_right_arithmetic3A_37 = vector.broadcast %shift_right_arithmetic3A_36 : i32 to vector<16xi32>
    %shift_right_arithmetic3A_38 = arith.shrsi %get3A_35, %shift_right_arithmetic3A_37 : vector<16xi32>
    %mul3A_39 = arith.constant 1024 : i32
    %mul3A_40 = vector.broadcast %mul3A_39 : i32 to vector<16xi32>
    %mul3A_41 = arith.muli %shift_right_arithmetic3A_38, %mul3A_40 : vector<16xi32>
    %and3A_42 = arith.constant 127 : i32
    %and3A_43 = vector.broadcast %and3A_42 : i32 to vector<16xi32>
    %and3A_44 = arith.andi %get3A_35, %and3A_43 : vector<16xi32>
    %add3A_45 = arith.addi %mul3A_41, %and3A_44 : vector<16xi32>
    %get3A_46 = arith.constant 0 : index
    %get3A_47 = tpu.vector_load %arg7[%get3A_46] {strides = array<i32>} : memref<64xf32, #tpu.memory_space<vmem>>, vector<16xf32>,
    %get3A_48 = arith.constant 16 : index
    %get3A_49 = tpu.vector_load %arg7[%get3A_48] {strides = array<i32>} : memref<64xf32, #tpu.memory_space<vmem>>, vector<16xf32>,
    %get3A_50 = arith.constant 32 : index
    %get3A_51 = tpu.vector_load %arg7[%get3A_50] {strides = array<i32>} : memref<64xf32, #tpu.memory_space<vmem>>, vector<16xf32>,
    %get3A_52 = arith.constant 48 : index
    %get3A_53 = tpu.vector_load %arg7[%get3A_52] {strides = array<i32>} : memref<64xf32, #tpu.memory_space<vmem>>, vector<16xf32>,
    %dma_start3A = arith.constant 0 : i32
    %dma_start3A_54 = arith.constant 0 : i32
    %dma_start3A_55 = tpu.memref_slice %arg8[%dma_start3A, %dma_start3A_54] : memref<2x43008xf32, #tpu.memory_space<vmem>> -> memref<1x43008xf32, #tpu.memory_space<vmem>>
    %dma_start3A_56 = tpu.memref_squeeze %dma_start3A_55 : memref<1x43008xf32, #tpu.memory_space<vmem>> -> memref<43008xf32, #tpu.memory_space<vmem>>
    %dma_start3A_57 = arith.constant 0 : i32
    %dma_start3A_58 = tpu.memref_slice %arg2[%add3A, %dma_start3A_57] : memref<32x2408448xf32, #tpu.memory_space<hbm>> -> memref<1x43008xf32, #tpu.memory_space<hbm>>
    %dma_start3A_59 = tpu.memref_squeeze %dma_start3A_58 : memref<1x43008xf32, #tpu.memory_space<hbm>> -> memref<43008xf32, #tpu.memory_space<hbm>>
    %dma_start3A_60 = arith.constant 0 : i32
    %dma_start3A_61 = tpu.memref_slice %arg8[%dma_start3A, %dma_start3A_60] : memref<2x43008xf32, #tpu.memory_space<vmem>> -> memref<1x43008xf32, #tpu.memory_space<vmem>>
    %dma_start3A_62 = tpu.memref_squeeze %dma_start3A_61 : memref<1x43008xf32, #tpu.memory_space<vmem>> -> memref<43008xf32, #tpu.memory_space<vmem>>
    %dma_start3A_63 = arith.constant 0 : i32
    %dma_start3A_64 = tpu.memref_slice %arg2[%add3A, %dma_start3A_63] : memref<32x2408448xf32, #tpu.memory_space<hbm>> -> memref<1x43008xf32, #tpu.memory_space<hbm>>
    %dma_start3A_65 = tpu.memref_squeeze %dma_start3A_64 : memref<1x43008xf32, #tpu.memory_space<hbm>> -> memref<43008xf32, #tpu.memory_space<hbm>>
    tpu.enqueue_dma source(%dma_start3A_65 : memref<43008xf32, #tpu.memory_space<hbm>>) target(%dma_start3A_62 : memref<43008xf32, #tpu.memory_space<vmem>>) target_semaphore(%arg10 : memref<!tpu.dma_semaphore, #tpu.memory_space<semaphore_mem>>)
    %scan3A = arith.constant 0 : i32
    %scan3A_66 = arith.constant 0 : i32
    %scan3A_67 = arith.constant 28 : i32
    %scan3A_68 = arith.addi %scan3A_66, %scan3A_67 : i32
    %scan3A_69 = arith.constant 1 : i32
    %scan3A_70 = scf.for %scan3A_97 = %scan3A_66 to %scan3A_68 step %scan3A_69 iter_args(%scan3A_98 = %scan3A) -> (i32)  : i32 {
      %mul3A_99 = arith.constant 2 : i32
      %mul3A_100 = arith.muli %mul3A_99, %scan3A_97 : i32
      %add3A_101 = arith.constant 1 : i32
      %add3A_102 = arith.addi %mul3A_100, %add3A_101 : i32
      %mul3A_103 = arith.constant 43008 : i32
      %mul3A_104 = arith.muli %add3A_102, %mul3A_103 : i32
      %dma_start3A_105 = arith.constant 1 : i32
      %dma_start3A_106 = arith.constant 0 : i32
      %dma_start3A_107 = tpu.memref_slice %arg8[%dma_start3A_105, %dma_start3A_106] : memref<2x43008xf32, #tpu.memory_space<vmem>> -> memref<1x43008xf32, #tpu.memory_space<vmem>>
      %dma_start3A_108 = tpu.memref_squeeze %dma_start3A_107 : memref<1x43008xf32, #tpu.memory_space<vmem>> -> memref<43008xf32, #tpu.memory_space<vmem>>
      %dma_start3A_109 = tpu.memref_slice %arg2[%add3A, %mul3A_104] : memref<32x2408448xf32, #tpu.memory_space<hbm>> -> memref<1x43008xf32, #tpu.memory_space<hbm>>
      %dma_start3A_110 = tpu.memref_squeeze %dma_start3A_109 : memref<1x43008xf32, #tpu.memory_space<hbm>> -> memref<43008xf32, #tpu.memory_space<hbm>>
      %dma_start3A_111 = arith.constant 0 : i32
      %dma_start3A_112 = tpu.memref_slice %arg8[%dma_start3A_105, %dma_start3A_111] : memref<2x43008xf32, #tpu.memory_space<vmem>> -> memref<1x43008xf32, #tpu.memory_space<vmem>>
      %dma_start3A_113 = tpu.memref_squeeze %dma_start3A_112 : memref<1x43008xf32, #tpu.memory_space<vmem>> -> memref<43008xf32, #tpu.memory_space<vmem>>
      %dma_start3A_114 = tpu.memref_slice %arg2[%add3A, %mul3A_104] : memref<32x2408448xf32, #tpu.memory_space<hbm>> -> memref<1x43008xf32, #tpu.memory_space<hbm>>
      %dma_start3A_115 = tpu.memref_squeeze %dma_start3A_114 : memref<1x43008xf32, #tpu.memory_space<hbm>> -> memref<43008xf32, #tpu.memory_space<hbm>>
      tpu.enqueue_dma source(%dma_start3A_115 : memref<43008xf32, #tpu.memory_space<hbm>>) target(%dma_start3A_113 : memref<43008xf32, #tpu.memory_space<vmem>>) target_semaphore(%arg11 : memref<!tpu.dma_semaphore, #tpu.memory_space<semaphore_mem>>)
      %dma_wait3A_116 = arith.constant 0 : i32
      %dma_wait3A_117 = arith.constant 0 : i32
      %dma_wait3A_118 = tpu.memref_slice %arg8[%dma_wait3A_116, %dma_wait3A_117] : memref<2x43008xf32, #tpu.memory_space<vmem>> -> memref<1x43008xf32, #tpu.memory_space<vmem>>
      %dma_wait3A_119 = tpu.memref_squeeze %dma_wait3A_118 : memref<1x43008xf32, #tpu.memory_space<vmem>> -> memref<43008xf32, #tpu.memory_space<vmem>>
      %dma_wait3A_120 = arith.constant 0 : i32
      %dma_wait3A_121 = tpu.memref_slice %arg2[%add3A, %dma_wait3A_120] : memref<32x2408448xf32, #tpu.memory_space<hbm>> -> memref<1x43008xf32, #tpu.memory_space<hbm>>
      %dma_wait3A_122 = tpu.memref_squeeze %dma_wait3A_121 : memref<1x43008xf32, #tpu.memory_space<hbm>> -> memref<43008xf32, #tpu.memory_space<hbm>>
      %dma_wait3A_123 = arith.constant 0 : i32
      %dma_wait3A_124 = tpu.memref_slice %arg8[%dma_wait3A_116, %dma_wait3A_123] : memref<2x43008xf32, #tpu.memory_space<vmem>> -> memref<1x43008xf32, #tpu.memory_space<vmem>>
      %dma_wait3A_125 = tpu.memref_squeeze %dma_wait3A_124 : memref<1x43008xf32, #tpu.memory_space<vmem>> -> memref<43008xf32, #tpu.memory_space<vmem>>
      %dma_wait3A_126 = arith.constant 0 : i32
      %dma_wait3A_127 = tpu.memref_slice %arg2[%add3A, %dma_wait3A_126] : memref<32x2408448xf32, #tpu.memory_space<hbm>> -> memref<1x43008xf32, #tpu.memory_space<hbm>>
      %dma_wait3A_128 = tpu.memref_squeeze %dma_wait3A_127 : memref<1x43008xf32, #tpu.memory_space<hbm>> -> memref<43008xf32, #tpu.memory_space<hbm>>
      tpu.wait_dma2 semaphore(%arg10 : memref<!tpu.dma_semaphore, #tpu.memory_space<semaphore_mem>>) src(%dma_wait3A_128 : memref<43008xf32, #tpu.memory_space<hbm>>) dst(%dma_wait3A_125 : memref<43008xf32, #tpu.memory_space<vmem>>)
      %gt3A = arith.constant 0 : i32
      %gt3A_129 = arith.cmpi sgt, %scan3A_97, %gt3A : i32
      %convert_element_type3A = arith.extui %gt3A_129 : i1 to i32
      %cond3A = arith.constant 0 : i32
      %cond3A_130 = arith.cmpi ne, %convert_element_type3A, %cond3A : i32
      scf.if %cond3A_130 {
        %dma_wait3A_191 = arith.constant 0 : i32
        %dma_wait3A_192 = arith.constant 0 : i32
        %dma_wait3A_193 = tpu.memref_slice %arg9[%dma_wait3A_191, %dma_wait3A_192] : memref<2x7168xf32, #tpu.memory_space<vmem>> -> memref<1x7168xf32, #tpu.memory_space<vmem>>
        %dma_wait3A_194 = tpu.memref_squeeze %dma_wait3A_193 : memref<1x7168xf32, #tpu.memory_space<vmem>> -> memref<7168xf32, #tpu.memory_space<vmem>>
        %dma_wait3A_195 = arith.constant 0 : i32
        %dma_wait3A_196 = tpu.memref_slice %arg5[%add3A, %dma_wait3A_195] : memref<32x401408xf32, #tpu.memory_space<hbm>> -> memref<1x7168xf32, #tpu.memory_space<hbm>>
        %dma_wait3A_197 = tpu.memref_squeeze %dma_wait3A_196 : memref<1x7168xf32, #tpu.memory_space<hbm>> -> memref<7168xf32, #tpu.memory_space<hbm>>
        %dma_wait3A_198 = arith.constant 0 : i32
        %dma_wait3A_199 = tpu.memref_slice %arg5[%add3A, %dma_wait3A_198] : memref<32x401408xf32, #tpu.memory_space<hbm>> -> memref<1x7168xf32, #tpu.memory_space<hbm>>
        %dma_wait3A_200 = tpu.memref_squeeze %dma_wait3A_199 : memref<1x7168xf32, #tpu.memory_space<hbm>> -> memref<7168xf32, #tpu.memory_space<hbm>>
        %dma_wait3A_201 = arith.constant 0 : i32
        %dma_wait3A_202 = tpu.memref_slice %arg9[%dma_wait3A_191, %dma_wait3A_201] : memref<2x7168xf32, #tpu.memory_space<vmem>> -> memref<1x7168xf32, #tpu.memory_space<vmem>>
        %dma_wait3A_203 = tpu.memref_squeeze %dma_wait3A_202 : memref<1x7168xf32, #tpu.memory_space<vmem>> -> memref<7168xf32, #tpu.memory_space<vmem>>
        tpu.wait_dma2 semaphore(%arg12 : memref<!tpu.dma_semaphore, #tpu.memory_space<semaphore_mem>>) src(%dma_wait3A_203 : memref<7168xf32, #tpu.memory_space<vmem>>) dst(%dma_wait3A_200 : memref<7168xf32, #tpu.memory_space<hbm>>)
      } else {
      }
      %parallel_loop3A = arith.constant 0 : i32
      %parallel_loop3A_131 = arith.constant 56 : i32
      %parallel_loop3A_132 = arith.constant 1 : i32
      %parallel_loop3A_133 = arith.constant 0 : i32
      %parallel_loop3A_134 = arith.constant 0 : i32
      scf.for %parallel_loop3A_191 = %parallel_loop3A to %parallel_loop3A_131 step %parallel_loop3A_132  : i32 {
        %parallel_loop3A_192 = arith.constant 3 : i32
        %parallel_loop3A_193 = arith.shrsi %parallel_loop3A_191, %parallel_loop3A_192 : i32
        %parallel_loop3A_194 = arith.constant 6144 : i32
        %parallel_loop3A_195 = arith.muli %parallel_loop3A_193, %parallel_loop3A_194 : i32
        %parallel_loop3A_196 = arith.constant 7 : i32
        %parallel_loop3A_197 = arith.andi %parallel_loop3A_191, %parallel_loop3A_196 : i32
        %parallel_loop3A_198 = arith.constant 128 : i32
        %parallel_loop3A_199 = arith.muli %parallel_loop3A_197, %parallel_loop3A_198 : i32
        %parallel_loop3A_200 = arith.addi %parallel_loop3A_195, %parallel_loop3A_199 : i32
        %parallel_loop3A_201 = arith.constant 3 : i32
        %parallel_loop3A_202 = arith.shrsi %parallel_loop3A_191, %parallel_loop3A_201 : i32
        %parallel_loop3A_203 = arith.constant 1024 : i32
        %parallel_loop3A_204 = arith.muli %parallel_loop3A_202, %parallel_loop3A_203 : i32
        %parallel_loop3A_205 = arith.constant 7 : i32
        %parallel_loop3A_206 = arith.andi %parallel_loop3A_191, %parallel_loop3A_205 : i32
        %parallel_loop3A_207 = arith.constant 128 : i32
        %parallel_loop3A_208 = arith.muli %parallel_loop3A_206, %parallel_loop3A_207 : i32
        %parallel_loop3A_209 = arith.addi %parallel_loop3A_204, %parallel_loop3A_208 : i32
        %parallel_loop3A_210 = vector.broadcast %parallel_loop3A_200 : i32 to vector<16xi32>
        %parallel_loop3A_211 = arith.addi %parallel_loop3A_210, %add3A_9 : vector<16xi32>
        %parallel_loop3A_212 = arith.constant 0 : i32
        %parallel_loop3A_213 = tpu.memref_slice %arg8[%parallel_loop3A_133, %parallel_loop3A_212] : memref<2x43008xf32, #tpu.memory_space<vmem>> -> memref<1x43008xf32, #tpu.memory_space<vmem>>
        %parallel_loop3A_214 = tpu.memref_squeeze %parallel_loop3A_213 : memref<1x43008xf32, #tpu.memory_space<vmem>> -> memref<43008xf32, #tpu.memory_space<vmem>>
        %parallel_loop3A_215 = tpu.vector_load_idx %parallel_loop3A_214[%parallel_loop3A_211] : memref<43008xf32, #tpu.memory_space<vmem>>[vector<16xi32>], vector<16xf32>,
        %parallel_loop3A_216 = arith.mulf %parallel_loop3A_215, %get3A_47 : vector<16xf32>
        %parallel_loop3A_217 = arith.constant 0 : i32
        %parallel_loop3A_218 = arith.addi %parallel_loop3A_209, %parallel_loop3A_217 : i32
        %parallel_loop3A_219 = arith.constant 0 : i32
        %parallel_loop3A_220 = tpu.memref_slice %arg9[%parallel_loop3A_134, %parallel_loop3A_219] : memref<2x7168xf32, #tpu.memory_space<vmem>> -> memref<1x7168xf32, #tpu.memory_space<vmem>>
        %parallel_loop3A_221 = tpu.memref_squeeze %parallel_loop3A_220 : memref<1x7168xf32, #tpu.memory_space<vmem>> -> memref<7168xf32, #tpu.memory_space<vmem>>
        %parallel_loop3A_222 = arith.index_cast %parallel_loop3A_218 : i32 to index
        %parallel_loop3A_223 = tpu.vector_load %parallel_loop3A_221[%parallel_loop3A_222] {strides = array<i32>} : memref<7168xf32, #tpu.memory_space<vmem>>, vector<16xf32>,
        tpu.vector_store %parallel_loop3A_221[%parallel_loop3A_222], %parallel_loop3A_216 {strides = array<i32>} : memref<7168xf32, #tpu.memory_space<vmem>>, vector<16xf32>,
        %parallel_loop3A_224 = arith.addi %parallel_loop3A_210, %add3A_21 : vector<16xi32>
        %parallel_loop3A_225 = arith.constant 0 : i32
        %parallel_loop3A_226 = tpu.memref_slice %arg8[%parallel_loop3A_133, %parallel_loop3A_225] : memref<2x43008xf32, #tpu.memory_space<vmem>> -> memref<1x43008xf32, #tpu.memory_space<vmem>>
        %parallel_loop3A_227 = tpu.memref_squeeze %parallel_loop3A_226 : memref<1x43008xf32, #tpu.memory_space<vmem>> -> memref<43008xf32, #tpu.memory_space<vmem>>
        %parallel_loop3A_228 = tpu.vector_load_idx %parallel_loop3A_227[%parallel_loop3A_224] : memref<43008xf32, #tpu.memory_space<vmem>>[vector<16xi32>], vector<16xf32>,
        %parallel_loop3A_229 = arith.mulf %parallel_loop3A_228, %get3A_49 : vector<16xf32>
        %parallel_loop3A_230 = arith.constant 16 : i32
        %parallel_loop3A_231 = arith.addi %parallel_loop3A_209, %parallel_loop3A_230 : i32
        %parallel_loop3A_232 = arith.constant 0 : i32
        %parallel_loop3A_233 = tpu.memref_slice %arg9[%parallel_loop3A_134, %parallel_loop3A_232] : memref<2x7168xf32, #tpu.memory_space<vmem>> -> memref<1x7168xf32, #tpu.memory_space<vmem>>
        %parallel_loop3A_234 = tpu.memref_squeeze %parallel_loop3A_233 : memref<1x7168xf32, #tpu.memory_space<vmem>> -> memref<7168xf32, #tpu.memory_space<vmem>>
        %parallel_loop3A_235 = arith.index_cast %parallel_loop3A_231 : i32 to index
        %parallel_loop3A_236 = tpu.vector_load %parallel_loop3A_234[%parallel_loop3A_235] {strides = array<i32>} : memref<7168xf32, #tpu.memory_space<vmem>>, vector<16xf32>,
        tpu.vector_store %parallel_loop3A_234[%parallel_loop3A_235], %parallel_loop3A_229 {strides = array<i32>} : memref<7168xf32, #tpu.memory_space<vmem>>, vector<16xf32>,
        %parallel_loop3A_237 = arith.addi %parallel_loop3A_210, %add3A_33 : vector<16xi32>
        %parallel_loop3A_238 = arith.constant 0 : i32
        %parallel_loop3A_239 = tpu.memref_slice %arg8[%parallel_loop3A_133, %parallel_loop3A_238] : memref<2x43008xf32, #tpu.memory_space<vmem>> -> memref<1x43008xf32, #tpu.memory_space<vmem>>
        %parallel_loop3A_240 = tpu.memref_squeeze %parallel_loop3A_239 : memref<1x43008xf32, #tpu.memory_space<vmem>> -> memref<43008xf32, #tpu.memory_space<vmem>>
        %parallel_loop3A_241 = tpu.vector_load_idx %parallel_loop3A_240[%parallel_loop3A_237] : memref<43008xf32, #tpu.memory_space<vmem>>[vector<16xi32>], vector<16xf32>,
        %parallel_loop3A_242 = arith.mulf %parallel_loop3A_241, %get3A_51 : vector<16xf32>
        %parallel_loop3A_243 = arith.constant 32 : i32
        %parallel_loop3A_244 = arith.addi %parallel_loop3A_209, %parallel_loop3A_243 : i32
        %parallel_loop3A_245 = arith.constant 0 : i32
        %parallel_loop3A_246 = tpu.memref_slice %arg9[%parallel_loop3A_134, %parallel_loop3A_245] : memref<2x7168xf32, #tpu.memory_space<vmem>> -> memref<1x7168xf32, #tpu.memory_space<vmem>>
        %parallel_loop3A_247 = tpu.memref_squeeze %parallel_loop3A_246 : memref<1x7168xf32, #tpu.memory_space<vmem>> -> memref<7168xf32, #tpu.memory_space<vmem>>
        %parallel_loop3A_248 = arith.index_cast %parallel_loop3A_244 : i32 to index
        %parallel_loop3A_249 = tpu.vector_load %parallel_loop3A_247[%parallel_loop3A_248] {strides = array<i32>} : memref<7168xf32, #tpu.memory_space<vmem>>, vector<16xf32>,
        tpu.vector_store %parallel_loop3A_247[%parallel_loop3A_248], %parallel_loop3A_242 {strides = array<i32>} : memref<7168xf32, #tpu.memory_space<vmem>>, vector<16xf32>,
        %parallel_loop3A_250 = arith.addi %parallel_loop3A_210, %add3A_45 : vector<16xi32>
        %parallel_loop3A_251 = arith.constant 0 : i32
        %parallel_loop3A_252 = tpu.memref_slice %arg8[%parallel_loop3A_133, %parallel_loop3A_251] : memref<2x43008xf32, #tpu.memory_space<vmem>> -> memref<1x43008xf32, #tpu.memory_space<vmem>>
        %parallel_loop3A_253 = tpu.memref_squeeze %parallel_loop3A_252 : memref<1x43008xf32, #tpu.memory_space<vmem>> -> memref<43008xf32, #tpu.memory_space<vmem>>
        %parallel_loop3A_254 = tpu.vector_load_idx %parallel_loop3A_253[%parallel_loop3A_250] : memref<43008xf32, #tpu.memory_space<vmem>>[vector<16xi32>], vector<16xf32>,
        %parallel_loop3A_255 = arith.mulf %parallel_loop3A_254, %get3A_53 : vector<16xf32>
        %parallel_loop3A_256 = arith.constant 48 : i32
        %parallel_loop3A_257 = arith.addi %parallel_loop3A_209, %parallel_loop3A_256 : i32
        %parallel_loop3A_258 = arith.constant 0 : i32
        %parallel_loop3A_259 = tpu.memref_slice %arg9[%parallel_loop3A_134, %parallel_loop3A_258] : memref<2x7168xf32, #tpu.memory_space<vmem>> -> memref<1x7168xf32, #tpu.memory_space<vmem>>
        %parallel_loop3A_260 = tpu.memref_squeeze %parallel_loop3A_259 : memref<1x7168xf32, #tpu.memory_space<vmem>> -> memref<7168xf32, #tpu.memory_space<vmem>>
        %parallel_loop3A_261 = arith.index_cast %parallel_loop3A_257 : i32 to index
        %parallel_loop3A_262 = tpu.vector_load %parallel_loop3A_260[%parallel_loop3A_261] {strides = array<i32>} : memref<7168xf32, #tpu.memory_space<vmem>>, vector<16xf32>,
        tpu.vector_store %parallel_loop3A_260[%parallel_loop3A_261], %parallel_loop3A_255 {strides = array<i32>} : memref<7168xf32, #tpu.memory_space<vmem>>, vector<16xf32>,
      } {sc.loop_unroll_factor = 8 : i64, sc.parallel_access}
      %mul3A_135 = arith.constant 7168 : i32
      %mul3A_136 = arith.muli %mul3A_100, %mul3A_135 : i32
      %dma_start3A_137 = arith.constant 0 : i32
      %dma_start3A_138 = arith.constant 0 : i32
      %dma_start3A_139 = tpu.memref_slice %arg9[%dma_start3A_137, %dma_start3A_138] : memref<2x7168xf32, #tpu.memory_space<vmem>> -> memref<1x7168xf32, #tpu.memory_space<vmem>>
      %dma_start3A_140 = tpu.memref_squeeze %dma_start3A_139 : memref<1x7168xf32, #tpu.memory_space<vmem>> -> memref<7168xf32, #tpu.memory_space<vmem>>
      %dma_start3A_141 = tpu.memref_slice %arg5[%add3A, %mul3A_136] : memref<32x401408xf32, #tpu.memory_space<hbm>> -> memref<1x7168xf32, #tpu.memory_space<hbm>>
      %dma_start3A_142 = tpu.memref_squeeze %dma_start3A_141 : memref<1x7168xf32, #tpu.memory_space<hbm>> -> memref<7168xf32, #tpu.memory_space<hbm>>
      %dma_start3A_143 = tpu.memref_slice %arg5[%add3A, %mul3A_136] : memref<32x401408xf32, #tpu.memory_space<hbm>> -> memref<1x7168xf32, #tpu.memory_space<hbm>>
      %dma_start3A_144 = tpu.memref_squeeze %dma_start3A_143 : memref<1x7168xf32, #tpu.memory_space<hbm>> -> memref<7168xf32, #tpu.memory_space<hbm>>
      %dma_start3A_145 = arith.constant 0 : i32
      %dma_start3A_146 = tpu.memref_slice %arg9[%dma_start3A_137, %dma_start3A_145] : memref<2x7168xf32, #tpu.memory_space<vmem>> -> memref<1x7168xf32, #tpu.memory_space<vmem>>
      %dma_start3A_147 = tpu.memref_squeeze %dma_start3A_146 : memref<1x7168xf32, #tpu.memory_space<vmem>> -> memref<7168xf32, #tpu.memory_space<vmem>>
      tpu.enqueue_dma source(%dma_start3A_147 : memref<7168xf32, #tpu.memory_space<vmem>>) target(%dma_start3A_144 : memref<7168xf32, #tpu.memory_space<hbm>>) target_semaphore(%arg12 : memref<!tpu.dma_semaphore, #tpu.memory_space<semaphore_mem>>)
      %lt3A = arith.constant 27 : i32
      %lt3A_148 = arith.cmpi slt, %scan3A_97, %lt3A : i32
      %convert_element_type3A_149 = arith.extui %lt3A_148 : i1 to i32
      %cond3A_150 = arith.constant 0 : i32
      %cond3A_151 = arith.cmpi ne, %convert_element_type3A_149, %cond3A_150 : i32
      scf.if %cond3A_151 {
        %add3A_191 = arith.constant 2 : i32
        %add3A_192 = arith.addi %mul3A_100, %add3A_191 : i32
        %mul3A_193 = arith.constant 43008 : i32
        %mul3A_194 = arith.muli %add3A_192, %mul3A_193 : i32
        %dma_start3A_195 = arith.constant 0 : i32
        %dma_start3A_196 = arith.constant 0 : i32
        %dma_start3A_197 = tpu.memref_slice %arg8[%dma_start3A_195, %dma_start3A_196] : memref<2x43008xf32, #tpu.memory_space<vmem>> -> memref<1x43008xf32, #tpu.memory_space<vmem>>
        %dma_start3A_198 = tpu.memref_squeeze %dma_start3A_197 : memref<1x43008xf32, #tpu.memory_space<vmem>> -> memref<43008xf32, #tpu.memory_space<vmem>>
        %dma_start3A_199 = tpu.memref_slice %arg2[%add3A, %mul3A_194] : memref<32x2408448xf32, #tpu.memory_space<hbm>> -> memref<1x43008xf32, #tpu.memory_space<hbm>>
        %dma_start3A_200 = tpu.memref_squeeze %dma_start3A_199 : memref<1x43008xf32, #tpu.memory_space<hbm>> -> memref<43008xf32, #tpu.memory_space<hbm>>
        %dma_start3A_201 = arith.constant 0 : i32
        %dma_start3A_202 = tpu.memref_slice %arg8[%dma_start3A_195, %dma_start3A_201] : memref<2x43008xf32, #tpu.memory_space<vmem>> -> memref<1x43008xf32, #tpu.memory_space<vmem>>
        %dma_start3A_203 = tpu.memref_squeeze %dma_start3A_202 : memref<1x43008xf32, #tpu.memory_space<vmem>> -> memref<43008xf32, #tpu.memory_space<vmem>>
        %dma_start3A_204 = tpu.memref_slice %arg2[%add3A, %mul3A_194] : memref<32x2408448xf32, #tpu.memory_space<hbm>> -> memref<1x43008xf32, #tpu.memory_space<hbm>>
        %dma_start3A_205 = tpu.memref_squeeze %dma_start3A_204 : memref<1x43008xf32, #tpu.memory_space<hbm>> -> memref<43008xf32, #tpu.memory_space<hbm>>
        tpu.enqueue_dma source(%dma_start3A_205 : memref<43008xf32, #tpu.memory_space<hbm>>) target(%dma_start3A_203 : memref<43008xf32, #tpu.memory_space<vmem>>) target_semaphore(%arg10 : memref<!tpu.dma_semaphore, #tpu.memory_space<semaphore_mem>>)
      } else {
      }
      %dma_wait3A_152 = arith.constant 1 : i32
      %dma_wait3A_153 = arith.constant 0 : i32
      %dma_wait3A_154 = tpu.memref_slice %arg8[%dma_wait3A_152, %dma_wait3A_153] : memref<2x43008xf32, #tpu.memory_space<vmem>> -> memref<1x43008xf32, #tpu.memory_space<vmem>>
      %dma_wait3A_155 = tpu.memref_squeeze %dma_wait3A_154 : memref<1x43008xf32, #tpu.memory_space<vmem>> -> memref<43008xf32, #tpu.memory_space<vmem>>
      %dma_wait3A_156 = arith.constant 0 : i32
      %dma_wait3A_157 = tpu.memref_slice %arg2[%add3A, %dma_wait3A_156] : memref<32x2408448xf32, #tpu.memory_space<hbm>> -> memref<1x43008xf32, #tpu.memory_space<hbm>>
      %dma_wait3A_158 = tpu.memref_squeeze %dma_wait3A_157 : memref<1x43008xf32, #tpu.memory_space<hbm>> -> memref<43008xf32, #tpu.memory_space<hbm>>
      %dma_wait3A_159 = arith.constant 0 : i32
      %dma_wait3A_160 = tpu.memref_slice %arg8[%dma_wait3A_152, %dma_wait3A_159] : memref<2x43008xf32, #tpu.memory_space<vmem>> -> memref<1x43008xf32, #tpu.memory_space<vmem>>
      %dma_wait3A_161 = tpu.memref_squeeze %dma_wait3A_160 : memref<1x43008xf32, #tpu.memory_space<vmem>> -> memref<43008xf32, #tpu.memory_space<vmem>>
      %dma_wait3A_162 = arith.constant 0 : i32
      %dma_wait3A_163 = tpu.memref_slice %arg2[%add3A, %dma_wait3A_162] : memref<32x2408448xf32, #tpu.memory_space<hbm>> -> memref<1x43008xf32, #tpu.memory_space<hbm>>
      %dma_wait3A_164 = tpu.memref_squeeze %dma_wait3A_163 : memref<1x43008xf32, #tpu.memory_space<hbm>> -> memref<43008xf32, #tpu.memory_space<hbm>>
      tpu.wait_dma2 semaphore(%arg11 : memref<!tpu.dma_semaphore, #tpu.memory_space<semaphore_mem>>) src(%dma_wait3A_164 : memref<43008xf32, #tpu.memory_space<hbm>>) dst(%dma_wait3A_161 : memref<43008xf32, #tpu.memory_space<vmem>>)
      %gt3A_165 = arith.constant 0 : i32
      %gt3A_166 = arith.cmpi sgt, %scan3A_97, %gt3A_165 : i32
      %convert_element_type3A_167 = arith.extui %gt3A_166 : i1 to i32
      %cond3A_168 = arith.constant 0 : i32
      %cond3A_169 = arith.cmpi ne, %convert_element_type3A_167, %cond3A_168 : i32
      scf.if %cond3A_169 {
        %dma_wait3A_191 = arith.constant 1 : i32
        %dma_wait3A_192 = arith.constant 0 : i32
        %dma_wait3A_193 = tpu.memref_slice %arg9[%dma_wait3A_191, %dma_wait3A_192] : memref<2x7168xf32, #tpu.memory_space<vmem>> -> memref<1x7168xf32, #tpu.memory_space<vmem>>
        %dma_wait3A_194 = tpu.memref_squeeze %dma_wait3A_193 : memref<1x7168xf32, #tpu.memory_space<vmem>> -> memref<7168xf32, #tpu.memory_space<vmem>>
        %dma_wait3A_195 = arith.constant 0 : i32
        %dma_wait3A_196 = tpu.memref_slice %arg5[%add3A, %dma_wait3A_195] : memref<32x401408xf32, #tpu.memory_space<hbm>> -> memref<1x7168xf32, #tpu.memory_space<hbm>>
        %dma_wait3A_197 = tpu.memref_squeeze %dma_wait3A_196 : memref<1x7168xf32, #tpu.memory_space<hbm>> -> memref<7168xf32, #tpu.memory_space<hbm>>
        %dma_wait3A_198 = arith.constant 0 : i32
        %dma_wait3A_199 = tpu.memref_slice %arg5[%add3A, %dma_wait3A_198] : memref<32x401408xf32, #tpu.memory_space<hbm>> -> memref<1x7168xf32, #tpu.memory_space<hbm>>
        %dma_wait3A_200 = tpu.memref_squeeze %dma_wait3A_199 : memref<1x7168xf32, #tpu.memory_space<hbm>> -> memref<7168xf32, #tpu.memory_space<hbm>>
        %dma_wait3A_201 = arith.constant 0 : i32
        %dma_wait3A_202 = tpu.memref_slice %arg9[%dma_wait3A_191, %dma_wait3A_201] : memref<2x7168xf32, #tpu.memory_space<vmem>> -> memref<1x7168xf32, #tpu.memory_space<vmem>>
        %dma_wait3A_203 = tpu.memref_squeeze %dma_wait3A_202 : memref<1x7168xf32, #tpu.memory_space<vmem>> -> memref<7168xf32, #tpu.memory_space<vmem>>
        tpu.wait_dma2 semaphore(%arg13 : memref<!tpu.dma_semaphore, #tpu.memory_space<semaphore_mem>>) src(%dma_wait3A_203 : memref<7168xf32, #tpu.memory_space<vmem>>) dst(%dma_wait3A_200 : memref<7168xf32, #tpu.memory_space<hbm>>)
      } else {
      }
      %parallel_loop3A_170 = arith.constant 0 : i32
      %parallel_loop3A_171 = arith.constant 56 : i32
      %parallel_loop3A_172 = arith.constant 1 : i32
      %parallel_loop3A_173 = arith.constant 1 : i32
      %parallel_loop3A_174 = arith.constant 1 : i32
      scf.for %parallel_loop3A_191 = %parallel_loop3A_170 to %parallel_loop3A_171 step %parallel_loop3A_172  : i32 {
        %parallel_loop3A_192 = arith.constant 3 : i32
        %parallel_loop3A_193 = arith.shrsi %parallel_loop3A_191, %parallel_loop3A_192 : i32
        %parallel_loop3A_194 = arith.constant 6144 : i32
        %parallel_loop3A_195 = arith.muli %parallel_loop3A_193, %parallel_loop3A_194 : i32
        %parallel_loop3A_196 = arith.constant 7 : i32
        %parallel_loop3A_197 = arith.andi %parallel_loop3A_191, %parallel_loop3A_196 : i32
        %parallel_loop3A_198 = arith.constant 128 : i32
        %parallel_loop3A_199 = arith.muli %parallel_loop3A_197, %parallel_loop3A_198 : i32
        %parallel_loop3A_200 = arith.addi %parallel_loop3A_195, %parallel_loop3A_199 : i32
        %parallel_loop3A_201 = arith.constant 3 : i32
        %parallel_loop3A_202 = arith.shrsi %parallel_loop3A_191, %parallel_loop3A_201 : i32
        %parallel_loop3A_203 = arith.constant 1024 : i32
        %parallel_loop3A_204 = arith.muli %parallel_loop3A_202, %parallel_loop3A_203 : i32
        %parallel_loop3A_205 = arith.constant 7 : i32
        %parallel_loop3A_206 = arith.andi %parallel_loop3A_191, %parallel_loop3A_205 : i32
        %parallel_loop3A_207 = arith.constant 128 : i32
        %parallel_loop3A_208 = arith.muli %parallel_loop3A_206, %parallel_loop3A_207 : i32
        %parallel_loop3A_209 = arith.addi %parallel_loop3A_204, %parallel_loop3A_208 : i32
        %parallel_loop3A_210 = vector.broadcast %parallel_loop3A_200 : i32 to vector<16xi32>
        %parallel_loop3A_211 = arith.addi %parallel_loop3A_210, %add3A_9 : vector<16xi32>
        %parallel_loop3A_212 = arith.constant 0 : i32
        %parallel_loop3A_213 = tpu.memref_slice %arg8[%parallel_loop3A_173, %parallel_loop3A_212] : memref<2x43008xf32, #tpu.memory_space<vmem>> -> memref<1x43008xf32, #tpu.memory_space<vmem>>
        %parallel_loop3A_214 = tpu.memref_squeeze %parallel_loop3A_213 : memref<1x43008xf32, #tpu.memory_space<vmem>> -> memref<43008xf32, #tpu.memory_space<vmem>>
        %parallel_loop3A_215 = tpu.vector_load_idx %parallel_loop3A_214[%parallel_loop3A_211] : memref<43008xf32, #tpu.memory_space<vmem>>[vector<16xi32>], vector<16xf32>,
        %parallel_loop3A_216 = arith.mulf %parallel_loop3A_215, %get3A_47 : vector<16xf32>
        %parallel_loop3A_217 = arith.constant 0 : i32
        %parallel_loop3A_218 = arith.addi %parallel_loop3A_209, %parallel_loop3A_217 : i32
        %parallel_loop3A_219 = arith.constant 0 : i32
        %parallel_loop3A_220 = tpu.memref_slice %arg9[%parallel_loop3A_174, %parallel_loop3A_219] : memref<2x7168xf32, #tpu.memory_space<vmem>> -> memref<1x7168xf32, #tpu.memory_space<vmem>>
        %parallel_loop3A_221 = tpu.memref_squeeze %parallel_loop3A_220 : memref<1x7168xf32, #tpu.memory_space<vmem>> -> memref<7168xf32, #tpu.memory_space<vmem>>
        %parallel_loop3A_222 = arith.index_cast %parallel_loop3A_218 : i32 to index
        %parallel_loop3A_223 = tpu.vector_load %parallel_loop3A_221[%parallel_loop3A_222] {strides = array<i32>} : memref<7168xf32, #tpu.memory_space<vmem>>, vector<16xf32>,
        tpu.vector_store %parallel_loop3A_221[%parallel_loop3A_222], %parallel_loop3A_216 {strides = array<i32>} : memref<7168xf32, #tpu.memory_space<vmem>>, vector<16xf32>,
        %parallel_loop3A_224 = arith.addi %parallel_loop3A_210, %add3A_21 : vector<16xi32>
        %parallel_loop3A_225 = arith.constant 0 : i32
        %parallel_loop3A_226 = tpu.memref_slice %arg8[%parallel_loop3A_173, %parallel_loop3A_225] : memref<2x43008xf32, #tpu.memory_space<vmem>> -> memref<1x43008xf32, #tpu.memory_space<vmem>>
        %parallel_loop3A_227 = tpu.memref_squeeze %parallel_loop3A_226 : memref<1x43008xf32, #tpu.memory_space<vmem>> -> memref<43008xf32, #tpu.memory_space<vmem>>
        %parallel_loop3A_228 = tpu.vector_load_idx %parallel_loop3A_227[%parallel_loop3A_224] : memref<43008xf32, #tpu.memory_space<vmem>>[vector<16xi32>], vector<16xf32>,
        %parallel_loop3A_229 = arith.mulf %parallel_loop3A_228, %get3A_49 : vector<16xf32>
        %parallel_loop3A_230 = arith.constant 16 : i32
        %parallel_loop3A_231 = arith.addi %parallel_loop3A_209, %parallel_loop3A_230 : i32
        %parallel_loop3A_232 = arith.constant 0 : i32
        %parallel_loop3A_233 = tpu.memref_slice %arg9[%parallel_loop3A_174, %parallel_loop3A_232] : memref<2x7168xf32, #tpu.memory_space<vmem>> -> memref<1x7168xf32, #tpu.memory_space<vmem>>
        %parallel_loop3A_234 = tpu.memref_squeeze %parallel_loop3A_233 : memref<1x7168xf32, #tpu.memory_space<vmem>> -> memref<7168xf32, #tpu.memory_space<vmem>>
        %parallel_loop3A_235 = arith.index_cast %parallel_loop3A_231 : i32 to index
        %parallel_loop3A_236 = tpu.vector_load %parallel_loop3A_234[%parallel_loop3A_235] {strides = array<i32>} : memref<7168xf32, #tpu.memory_space<vmem>>, vector<16xf32>,
        tpu.vector_store %parallel_loop3A_234[%parallel_loop3A_235], %parallel_loop3A_229 {strides = array<i32>} : memref<7168xf32, #tpu.memory_space<vmem>>, vector<16xf32>,
        %parallel_loop3A_237 = arith.addi %parallel_loop3A_210, %add3A_33 : vector<16xi32>
        %parallel_loop3A_238 = arith.constant 0 : i32
        %parallel_loop3A_239 = tpu.memref_slice %arg8[%parallel_loop3A_173, %parallel_loop3A_238] : memref<2x43008xf32, #tpu.memory_space<vmem>> -> memref<1x43008xf32, #tpu.memory_space<vmem>>
        %parallel_loop3A_240 = tpu.memref_squeeze %parallel_loop3A_239 : memref<1x43008xf32, #tpu.memory_space<vmem>> -> memref<43008xf32, #tpu.memory_space<vmem>>
        %parallel_loop3A_241 = tpu.vector_load_idx %parallel_loop3A_240[%parallel_loop3A_237] : memref<43008xf32, #tpu.memory_space<vmem>>[vector<16xi32>], vector<16xf32>,
        %parallel_loop3A_242 = arith.mulf %parallel_loop3A_241, %get3A_51 : vector<16xf32>
        %parallel_loop3A_243 = arith.constant 32 : i32
        %parallel_loop3A_244 = arith.addi %parallel_loop3A_209, %parallel_loop3A_243 : i32
        %parallel_loop3A_245 = arith.constant 0 : i32
        %parallel_loop3A_246 = tpu.memref_slice %arg9[%parallel_loop3A_174, %parallel_loop3A_245] : memref<2x7168xf32, #tpu.memory_space<vmem>> -> memref<1x7168xf32, #tpu.memory_space<vmem>>
        %parallel_loop3A_247 = tpu.memref_squeeze %parallel_loop3A_246 : memref<1x7168xf32, #tpu.memory_space<vmem>> -> memref<7168xf32, #tpu.memory_space<vmem>>
        %parallel_loop3A_248 = arith.index_cast %parallel_loop3A_244 : i32 to index
        %parallel_loop3A_249 = tpu.vector_load %parallel_loop3A_247[%parallel_loop3A_248] {strides = array<i32>} : memref<7168xf32, #tpu.memory_space<vmem>>, vector<16xf32>,
        tpu.vector_store %parallel_loop3A_247[%parallel_loop3A_248], %parallel_loop3A_242 {strides = array<i32>} : memref<7168xf32, #tpu.memory_space<vmem>>, vector<16xf32>,
        %parallel_loop3A_250 = arith.addi %parallel_loop3A_210, %add3A_45 : vector<16xi32>
        %parallel_loop3A_251 = arith.constant 0 : i32
        %parallel_loop3A_252 = tpu.memref_slice %arg8[%parallel_loop3A_173, %parallel_loop3A_251] : memref<2x43008xf32, #tpu.memory_space<vmem>> -> memref<1x43008xf32, #tpu.memory_space<vmem>>
        %parallel_loop3A_253 = tpu.memref_squeeze %parallel_loop3A_252 : memref<1x43008xf32, #tpu.memory_space<vmem>> -> memref<43008xf32, #tpu.memory_space<vmem>>
        %parallel_loop3A_254 = tpu.vector_load_idx %parallel_loop3A_253[%parallel_loop3A_250] : memref<43008xf32, #tpu.memory_space<vmem>>[vector<16xi32>], vector<16xf32>,
        %parallel_loop3A_255 = arith.mulf %parallel_loop3A_254, %get3A_53 : vector<16xf32>
        %parallel_loop3A_256 = arith.constant 48 : i32
        %parallel_loop3A_257 = arith.addi %parallel_loop3A_209, %parallel_loop3A_256 : i32
        %parallel_loop3A_258 = arith.constant 0 : i32
        %parallel_loop3A_259 = tpu.memref_slice %arg9[%parallel_loop3A_174, %parallel_loop3A_258] : memref<2x7168xf32, #tpu.memory_space<vmem>> -> memref<1x7168xf32, #tpu.memory_space<vmem>>
        %parallel_loop3A_260 = tpu.memref_squeeze %parallel_loop3A_259 : memref<1x7168xf32, #tpu.memory_space<vmem>> -> memref<7168xf32, #tpu.memory_space<vmem>>
        %parallel_loop3A_261 = arith.index_cast %parallel_loop3A_257 : i32 to index
        %parallel_loop3A_262 = tpu.vector_load %parallel_loop3A_260[%parallel_loop3A_261] {strides = array<i32>} : memref<7168xf32, #tpu.memory_space<vmem>>, vector<16xf32>,
        tpu.vector_store %parallel_loop3A_260[%parallel_loop3A_261], %parallel_loop3A_255 {strides = array<i32>} : memref<7168xf32, #tpu.memory_space<vmem>>, vector<16xf32>,
      } {sc.loop_unroll_factor = 8 : i64, sc.parallel_access}
      %add3A_175 = arith.constant 1 : i32
      %add3A_176 = arith.addi %mul3A_100, %add3A_175 : i32
      %mul3A_177 = arith.constant 7168 : i32
      %mul3A_178 = arith.muli %add3A_176, %mul3A_177 : i32
      %dma_start3A_179 = arith.constant 1 : i32
      %dma_start3A_180 = arith.constant 0 : i32
      %dma_start3A_181 = tpu.memref_slice %arg9[%dma_start3A_179, %dma_start3A_180] : memref<2x7168xf32, #tpu.memory_space<vmem>> -> memref<1x7168xf32, #tpu.memory_space<vmem>>
      %dma_start3A_182 = tpu.memref_squeeze %dma_start3A_181 : memref<1x7168xf32, #tpu.memory_space<vmem>> -> memref<7168xf32, #tpu.memory_space<vmem>>
      %dma_start3A_183 = tpu.memref_slice %arg5[%add3A, %mul3A_178] : memref<32x401408xf32, #tpu.memory_space<hbm>> -> memref<1x7168xf32, #tpu.memory_space<hbm>>
      %dma_start3A_184 = tpu.memref_squeeze %dma_start3A_183 : memref<1x7168xf32, #tpu.memory_space<hbm>> -> memref<7168xf32, #tpu.memory_space<hbm>>
      %dma_start3A_185 = tpu.memref_slice %arg5[%add3A, %mul3A_178] : memref<32x401408xf32, #tpu.memory_space<hbm>> -> memref<1x7168xf32, #tpu.memory_space<hbm>>
      %dma_start3A_186 = tpu.memref_squeeze %dma_start3A_185 : memref<1x7168xf32, #tpu.memory_space<hbm>> -> memref<7168xf32, #tpu.memory_space<hbm>>
      %dma_start3A_187 = arith.constant 0 : i32
      %dma_start3A_188 = tpu.memref_slice %arg9[%dma_start3A_179, %dma_start3A_187] : memref<2x7168xf32, #tpu.memory_space<vmem>> -> memref<1x7168xf32, #tpu.memory_space<vmem>>
      %dma_start3A_189 = tpu.memref_squeeze %dma_start3A_188 : memref<1x7168xf32, #tpu.memory_space<vmem>> -> memref<7168xf32, #tpu.memory_space<vmem>>
      tpu.enqueue_dma source(%dma_start3A_189 : memref<7168xf32, #tpu.memory_space<vmem>>) target(%dma_start3A_186 : memref<7168xf32, #tpu.memory_space<hbm>>) target_semaphore(%arg13 : memref<!tpu.dma_semaphore, #tpu.memory_space<semaphore_mem>>)
      %scan3A_190 = arith.constant 0 : i32
      scf.yield %scan3A_190 : i32
    }
    %scan3A_71 = arith.constant 28 : i32
    %dma_wait3A = arith.constant 0 : i32
    %dma_wait3A_72 = arith.constant 0 : i32
    %dma_wait3A_73 = tpu.memref_slice %arg9[%dma_wait3A, %dma_wait3A_72] : memref<2x7168xf32, #tpu.memory_space<vmem>> -> memref<1x7168xf32, #tpu.memory_space<vmem>>
    %dma_wait3A_74 = tpu.memref_squeeze %dma_wait3A_73 : memref<1x7168xf32, #tpu.memory_space<vmem>> -> memref<7168xf32, #tpu.memory_space<vmem>>
    %dma_wait3A_75 = arith.constant 0 : i32
    %dma_wait3A_76 = tpu.memref_slice %arg5[%add3A, %dma_wait3A_75] : memref<32x401408xf32, #tpu.memory_space<hbm>> -> memref<1x7168xf32, #tpu.memory_space<hbm>>
    %dma_wait3A_77 = tpu.memref_squeeze %dma_wait3A_76 : memref<1x7168xf32, #tpu.memory_space<hbm>> -> memref<7168xf32, #tpu.memory_space<hbm>>
    %dma_wait3A_78 = arith.constant 0 : i32
    %dma_wait3A_79 = tpu.memref_slice %arg5[%add3A, %dma_wait3A_78] : memref<32x401408xf32, #tpu.memory_space<hbm>> -> memref<1x7168xf32, #tpu.memory_space<hbm>>
    %dma_wait3A_80 = tpu.memref_squeeze %dma_wait3A_79 : memref<1x7168xf32, #tpu.memory_space<hbm>> -> memref<7168xf32, #tpu.memory_space<hbm>>
    %dma_wait3A_81 = arith.constant 0 : i32
    %dma_wait3A_82 = tpu.memref_slice %arg9[%dma_wait3A, %dma_wait3A_81] : memref<2x7168xf32, #tpu.memory_space<vmem>> -> memref<1x7168xf32, #tpu.memory_space<vmem>>
    %dma_wait3A_83 = tpu.memref_squeeze %dma_wait3A_82 : memref<1x7168xf32, #tpu.memory_space<vmem>> -> memref<7168xf32, #tpu.memory_space<vmem>>
    tpu.wait_dma2 semaphore(%arg12 : memref<!tpu.dma_semaphore, #tpu.memory_space<semaphore_mem>>) src(%dma_wait3A_83 : memref<7168xf32, #tpu.memory_space<vmem>>) dst(%dma_wait3A_80 : memref<7168xf32, #tpu.memory_space<hbm>>)
    %dma_wait3A_84 = arith.constant 1 : i32
    %dma_wait3A_85 = arith.constant 0 : i32
    %dma_wait3A_86 = tpu.memref_slice %arg9[%dma_wait3A_84, %dma_wait3A_85] : memref<2x7168xf32, #tpu.memory_space<vmem>> -> memref<1x7168xf32, #tpu.memory_space<vmem>>
    %dma_wait3A_87 = tpu.memref_squeeze %dma_wait3A_86 : memref<1x7168xf32, #tpu.memory_space<vmem>> -> memref<7168xf32, #tpu.memory_space<vmem>>
    %dma_wait3A_88 = arith.constant 0 : i32
    %dma_wait3A_89 = tpu.memref_slice %arg5[%add3A, %dma_wait3A_88] : memref<32x401408xf32, #tpu.memory_space<hbm>> -> memref<1x7168xf32, #tpu.memory_space<hbm>>
    %dma_wait3A_90 = tpu.memref_squeeze %dma_wait3A_89 : memref<1x7168xf32, #tpu.memory_space<hbm>> -> memref<7168xf32, #tpu.memory_space<hbm>>
    %dma_wait3A_91 = arith.constant 0 : i32
    %dma_wait3A_92 = tpu.memref_slice %arg5[%add3A, %dma_wait3A_91] : memref<32x401408xf32, #tpu.memory_space<hbm>> -> memref<1x7168xf32, #tpu.memory_space<hbm>>
    %dma_wait3A_93 = tpu.memref_squeeze %dma_wait3A_92 : memref<1x7168xf32, #tpu.memory_space<hbm>> -> memref<7168xf32, #tpu.memory_space<hbm>>
    %dma_wait3A_94 = arith.constant 0 : i32
    %dma_wait3A_95 = tpu.memref_slice %arg9[%dma_wait3A_84, %dma_wait3A_94] : memref<2x7168xf32, #tpu.memory_space<vmem>> -> memref<1x7168xf32, #tpu.memory_space<vmem>>
    %dma_wait3A_96 = tpu.memref_squeeze %dma_wait3A_95 : memref<1x7168xf32, #tpu.memory_space<vmem>> -> memref<7168xf32, #tpu.memory_space<vmem>>
    tpu.wait_dma2 semaphore(%arg13 : memref<!tpu.dma_semaphore, #tpu.memory_space<semaphore_mem>>) src(%dma_wait3A_96 : memref<7168xf32, #tpu.memory_space<vmem>>) dst(%dma_wait3A_93 : memref<7168xf32, #tpu.memory_space<hbm>>)
    return
  }
}

module attributes {stable_mosaic.version = 14 : i64} {
  func.func @_select_body(%arg0: memref<32x768xf32, #tpu.memory_space<vmem>>, %arg1: memref<32x64xi32, #tpu.memory_space<vmem>>, %arg2: memref<32x64xf32, #tpu.memory_space<vmem>>) attributes {dimension_semantics = [], scalar_prefetch = 0 : i64, scratch_operands = 0 : i64, tpu.core_type = #tpu.core_type<tc>} {
    %get3A = arith.constant 0 : index
    %get3A_0 = arith.constant 0 : index
    %get3A_1 = vector.load %arg0[%get3A, %get3A_0] : memref<32x768xf32, #tpu.memory_space<vmem>>, vector<32x768xf32>
    %bitcast_convert_type3A = tpu.bitcast %get3A_1 : vector<32x768xf32> -> vector<32x768xi32>
    %broadcast_in_dim3A = arith.constant 0 : i32
    %broadcast_in_dim3A_2 = vector.broadcast %broadcast_in_dim3A : i32 to vector<32x1xi32>
    %broadcast_in_dim3A_3 = arith.constant 1065353216 : i32
    %broadcast_in_dim3A_4 = vector.broadcast %broadcast_in_dim3A_3 : i32 to vector<32x1xi32>
    %add3A = arith.addi %broadcast_in_dim3A_2, %broadcast_in_dim3A_4 : vector<32x1xi32>
    %shift_right_arithmetic3A = arith.constant 1 : i32
    %shift_right_arithmetic3A_5 = vector.broadcast %shift_right_arithmetic3A : i32 to vector<32x1xi32>
    %shift_right_arithmetic3A_6 = arith.shrsi %add3A, %shift_right_arithmetic3A_5 : vector<32x1xi32>
    %gt3A = vector.broadcast %shift_right_arithmetic3A_6 : vector<32x1xi32> to vector<32x768xi32>
    %gt3A_7 = arith.cmpi sgt, %bitcast_convert_type3A, %gt3A : vector<32x768xi32>
    %convert_element_type3A = arith.extui %gt3A_7 : vector<32x768xi1> to vector<32x768xi32>
    %reduce_sum3A = arith.constant dense<0> : vector<32xi32>
    %reduce_sum3A_8 = vector.multi_reduction <add>, %convert_element_type3A, %reduce_sum3A [1] : vector<32x768xi32> to vector<32xi32>
    %broadcast_in_dim3A_9 = vector.shape_cast %reduce_sum3A_8 : vector<32xi32> to vector<32x1xi32>
    %ge3A = arith.constant 64 : i32
    %ge3A_10 = vector.broadcast %ge3A : i32 to vector<32x1xi32>
    %ge3A_11 = arith.cmpi sge, %broadcast_in_dim3A_9, %ge3A_10 : vector<32x1xi32>
    %select_n3A = arith.select %ge3A_11, %shift_right_arithmetic3A_6, %broadcast_in_dim3A_2 : vector<32x1xi1>, vector<32x1xi32>
    %select_n3A_12 = arith.select %ge3A_11, %broadcast_in_dim3A_4, %shift_right_arithmetic3A_6 : vector<32x1xi1>, vector<32x1xi32>
    %add3A_13 = arith.addi %select_n3A, %select_n3A_12 : vector<32x1xi32>
    %shift_right_arithmetic3A_14 = arith.constant 1 : i32
    %shift_right_arithmetic3A_15 = vector.broadcast %shift_right_arithmetic3A_14 : i32 to vector<32x1xi32>
    %shift_right_arithmetic3A_16 = arith.shrsi %add3A_13, %shift_right_arithmetic3A_15 : vector<32x1xi32>
    %gt3A_17 = vector.broadcast %shift_right_arithmetic3A_16 : vector<32x1xi32> to vector<32x768xi32>
    %gt3A_18 = arith.cmpi sgt, %bitcast_convert_type3A, %gt3A_17 : vector<32x768xi32>
    %convert_element_type3A_19 = arith.extui %gt3A_18 : vector<32x768xi1> to vector<32x768xi32>
    %reduce_sum3A_20 = arith.constant dense<0> : vector<32xi32>
    %reduce_sum3A_21 = vector.multi_reduction <add>, %convert_element_type3A_19, %reduce_sum3A_20 [1] : vector<32x768xi32> to vector<32xi32>
    %broadcast_in_dim3A_22 = vector.shape_cast %reduce_sum3A_21 : vector<32xi32> to vector<32x1xi32>
    %ge3A_23 = arith.constant 64 : i32
    %ge3A_24 = vector.broadcast %ge3A_23 : i32 to vector<32x1xi32>
    %ge3A_25 = arith.cmpi sge, %broadcast_in_dim3A_22, %ge3A_24 : vector<32x1xi32>
    %select_n3A_26 = arith.select %ge3A_25, %shift_right_arithmetic3A_16, %select_n3A : vector<32x1xi1>, vector<32x1xi32>
    %select_n3A_27 = arith.select %ge3A_25, %select_n3A_12, %shift_right_arithmetic3A_16 : vector<32x1xi1>, vector<32x1xi32>
    %add3A_28 = arith.addi %select_n3A_26, %select_n3A_27 : vector<32x1xi32>
    %shift_right_arithmetic3A_29 = arith.constant 1 : i32
    %shift_right_arithmetic3A_30 = vector.broadcast %shift_right_arithmetic3A_29 : i32 to vector<32x1xi32>
    %shift_right_arithmetic3A_31 = arith.shrsi %add3A_28, %shift_right_arithmetic3A_30 : vector<32x1xi32>
    %gt3A_32 = vector.broadcast %shift_right_arithmetic3A_31 : vector<32x1xi32> to vector<32x768xi32>
    %gt3A_33 = arith.cmpi sgt, %bitcast_convert_type3A, %gt3A_32 : vector<32x768xi32>
    %convert_element_type3A_34 = arith.extui %gt3A_33 : vector<32x768xi1> to vector<32x768xi32>
    %reduce_sum3A_35 = arith.constant dense<0> : vector<32xi32>
    %reduce_sum3A_36 = vector.multi_reduction <add>, %convert_element_type3A_34, %reduce_sum3A_35 [1] : vector<32x768xi32> to vector<32xi32>
    %broadcast_in_dim3A_37 = vector.shape_cast %reduce_sum3A_36 : vector<32xi32> to vector<32x1xi32>
    %ge3A_38 = arith.constant 64 : i32
    %ge3A_39 = vector.broadcast %ge3A_38 : i32 to vector<32x1xi32>
    %ge3A_40 = arith.cmpi sge, %broadcast_in_dim3A_37, %ge3A_39 : vector<32x1xi32>
    %select_n3A_41 = arith.select %ge3A_40, %shift_right_arithmetic3A_31, %select_n3A_26 : vector<32x1xi1>, vector<32x1xi32>
    %select_n3A_42 = arith.select %ge3A_40, %select_n3A_27, %shift_right_arithmetic3A_31 : vector<32x1xi1>, vector<32x1xi32>
    %add3A_43 = arith.addi %select_n3A_41, %select_n3A_42 : vector<32x1xi32>
    %shift_right_arithmetic3A_44 = arith.constant 1 : i32
    %shift_right_arithmetic3A_45 = vector.broadcast %shift_right_arithmetic3A_44 : i32 to vector<32x1xi32>
    %shift_right_arithmetic3A_46 = arith.shrsi %add3A_43, %shift_right_arithmetic3A_45 : vector<32x1xi32>
    %gt3A_47 = vector.broadcast %shift_right_arithmetic3A_46 : vector<32x1xi32> to vector<32x768xi32>
    %gt3A_48 = arith.cmpi sgt, %bitcast_convert_type3A, %gt3A_47 : vector<32x768xi32>
    %convert_element_type3A_49 = arith.extui %gt3A_48 : vector<32x768xi1> to vector<32x768xi32>
    %reduce_sum3A_50 = arith.constant dense<0> : vector<32xi32>
    %reduce_sum3A_51 = vector.multi_reduction <add>, %convert_element_type3A_49, %reduce_sum3A_50 [1] : vector<32x768xi32> to vector<32xi32>
    %broadcast_in_dim3A_52 = vector.shape_cast %reduce_sum3A_51 : vector<32xi32> to vector<32x1xi32>
    %ge3A_53 = arith.constant 64 : i32
    %ge3A_54 = vector.broadcast %ge3A_53 : i32 to vector<32x1xi32>
    %ge3A_55 = arith.cmpi sge, %broadcast_in_dim3A_52, %ge3A_54 : vector<32x1xi32>
    %select_n3A_56 = arith.select %ge3A_55, %shift_right_arithmetic3A_46, %select_n3A_41 : vector<32x1xi1>, vector<32x1xi32>
    %select_n3A_57 = arith.select %ge3A_55, %select_n3A_42, %shift_right_arithmetic3A_46 : vector<32x1xi1>, vector<32x1xi32>
    %add3A_58 = arith.addi %select_n3A_56, %select_n3A_57 : vector<32x1xi32>
    %shift_right_arithmetic3A_59 = arith.constant 1 : i32
    %shift_right_arithmetic3A_60 = vector.broadcast %shift_right_arithmetic3A_59 : i32 to vector<32x1xi32>
    %shift_right_arithmetic3A_61 = arith.shrsi %add3A_58, %shift_right_arithmetic3A_60 : vector<32x1xi32>
    %gt3A_62 = vector.broadcast %shift_right_arithmetic3A_61 : vector<32x1xi32> to vector<32x768xi32>
    %gt3A_63 = arith.cmpi sgt, %bitcast_convert_type3A, %gt3A_62 : vector<32x768xi32>
    %convert_element_type3A_64 = arith.extui %gt3A_63 : vector<32x768xi1> to vector<32x768xi32>
    %reduce_sum3A_65 = arith.constant dense<0> : vector<32xi32>
    %reduce_sum3A_66 = vector.multi_reduction <add>, %convert_element_type3A_64, %reduce_sum3A_65 [1] : vector<32x768xi32> to vector<32xi32>
    %broadcast_in_dim3A_67 = vector.shape_cast %reduce_sum3A_66 : vector<32xi32> to vector<32x1xi32>
    %ge3A_68 = arith.constant 64 : i32
    %ge3A_69 = vector.broadcast %ge3A_68 : i32 to vector<32x1xi32>
    %ge3A_70 = arith.cmpi sge, %broadcast_in_dim3A_67, %ge3A_69 : vector<32x1xi32>
    %select_n3A_71 = arith.select %ge3A_70, %shift_right_arithmetic3A_61, %select_n3A_56 : vector<32x1xi1>, vector<32x1xi32>
    %select_n3A_72 = arith.select %ge3A_70, %select_n3A_57, %shift_right_arithmetic3A_61 : vector<32x1xi1>, vector<32x1xi32>
    %add3A_73 = arith.addi %select_n3A_71, %select_n3A_72 : vector<32x1xi32>
    %shift_right_arithmetic3A_74 = arith.constant 1 : i32
    %shift_right_arithmetic3A_75 = vector.broadcast %shift_right_arithmetic3A_74 : i32 to vector<32x1xi32>
    %shift_right_arithmetic3A_76 = arith.shrsi %add3A_73, %shift_right_arithmetic3A_75 : vector<32x1xi32>
    %gt3A_77 = vector.broadcast %shift_right_arithmetic3A_76 : vector<32x1xi32> to vector<32x768xi32>
    %gt3A_78 = arith.cmpi sgt, %bitcast_convert_type3A, %gt3A_77 : vector<32x768xi32>
    %convert_element_type3A_79 = arith.extui %gt3A_78 : vector<32x768xi1> to vector<32x768xi32>
    %reduce_sum3A_80 = arith.constant dense<0> : vector<32xi32>
    %reduce_sum3A_81 = vector.multi_reduction <add>, %convert_element_type3A_79, %reduce_sum3A_80 [1] : vector<32x768xi32> to vector<32xi32>
    %broadcast_in_dim3A_82 = vector.shape_cast %reduce_sum3A_81 : vector<32xi32> to vector<32x1xi32>
    %ge3A_83 = arith.constant 64 : i32
    %ge3A_84 = vector.broadcast %ge3A_83 : i32 to vector<32x1xi32>
    %ge3A_85 = arith.cmpi sge, %broadcast_in_dim3A_82, %ge3A_84 : vector<32x1xi32>
    %select_n3A_86 = arith.select %ge3A_85, %shift_right_arithmetic3A_76, %select_n3A_71 : vector<32x1xi1>, vector<32x1xi32>
    %select_n3A_87 = arith.select %ge3A_85, %select_n3A_72, %shift_right_arithmetic3A_76 : vector<32x1xi1>, vector<32x1xi32>
    %add3A_88 = arith.addi %select_n3A_86, %select_n3A_87 : vector<32x1xi32>
    %shift_right_arithmetic3A_89 = arith.constant 1 : i32
    %shift_right_arithmetic3A_90 = vector.broadcast %shift_right_arithmetic3A_89 : i32 to vector<32x1xi32>
    %shift_right_arithmetic3A_91 = arith.shrsi %add3A_88, %shift_right_arithmetic3A_90 : vector<32x1xi32>
    %gt3A_92 = vector.broadcast %shift_right_arithmetic3A_91 : vector<32x1xi32> to vector<32x768xi32>
    %gt3A_93 = arith.cmpi sgt, %bitcast_convert_type3A, %gt3A_92 : vector<32x768xi32>
    %convert_element_type3A_94 = arith.extui %gt3A_93 : vector<32x768xi1> to vector<32x768xi32>
    %reduce_sum3A_95 = arith.constant dense<0> : vector<32xi32>
    %reduce_sum3A_96 = vector.multi_reduction <add>, %convert_element_type3A_94, %reduce_sum3A_95 [1] : vector<32x768xi32> to vector<32xi32>
    %broadcast_in_dim3A_97 = vector.shape_cast %reduce_sum3A_96 : vector<32xi32> to vector<32x1xi32>
    %ge3A_98 = arith.constant 64 : i32
    %ge3A_99 = vector.broadcast %ge3A_98 : i32 to vector<32x1xi32>
    %ge3A_100 = arith.cmpi sge, %broadcast_in_dim3A_97, %ge3A_99 : vector<32x1xi32>
    %select_n3A_101 = arith.select %ge3A_100, %shift_right_arithmetic3A_91, %select_n3A_86 : vector<32x1xi1>, vector<32x1xi32>
    %select_n3A_102 = arith.select %ge3A_100, %select_n3A_87, %shift_right_arithmetic3A_91 : vector<32x1xi1>, vector<32x1xi32>
    %add3A_103 = arith.addi %select_n3A_101, %select_n3A_102 : vector<32x1xi32>
    %shift_right_arithmetic3A_104 = arith.constant 1 : i32
    %shift_right_arithmetic3A_105 = vector.broadcast %shift_right_arithmetic3A_104 : i32 to vector<32x1xi32>
    %shift_right_arithmetic3A_106 = arith.shrsi %add3A_103, %shift_right_arithmetic3A_105 : vector<32x1xi32>
    %gt3A_107 = vector.broadcast %shift_right_arithmetic3A_106 : vector<32x1xi32> to vector<32x768xi32>
    %gt3A_108 = arith.cmpi sgt, %bitcast_convert_type3A, %gt3A_107 : vector<32x768xi32>
    %convert_element_type3A_109 = arith.extui %gt3A_108 : vector<32x768xi1> to vector<32x768xi32>
    %reduce_sum3A_110 = arith.constant dense<0> : vector<32xi32>
    %reduce_sum3A_111 = vector.multi_reduction <add>, %convert_element_type3A_109, %reduce_sum3A_110 [1] : vector<32x768xi32> to vector<32xi32>
    %broadcast_in_dim3A_112 = vector.shape_cast %reduce_sum3A_111 : vector<32xi32> to vector<32x1xi32>
    %ge3A_113 = arith.constant 64 : i32
    %ge3A_114 = vector.broadcast %ge3A_113 : i32 to vector<32x1xi32>
    %ge3A_115 = arith.cmpi sge, %broadcast_in_dim3A_112, %ge3A_114 : vector<32x1xi32>
    %select_n3A_116 = arith.select %ge3A_115, %shift_right_arithmetic3A_106, %select_n3A_101 : vector<32x1xi1>, vector<32x1xi32>
    %select_n3A_117 = arith.select %ge3A_115, %select_n3A_102, %shift_right_arithmetic3A_106 : vector<32x1xi1>, vector<32x1xi32>
    %add3A_118 = arith.addi %select_n3A_116, %select_n3A_117 : vector<32x1xi32>
    %shift_right_arithmetic3A_119 = arith.constant 1 : i32
    %shift_right_arithmetic3A_120 = vector.broadcast %shift_right_arithmetic3A_119 : i32 to vector<32x1xi32>
    %shift_right_arithmetic3A_121 = arith.shrsi %add3A_118, %shift_right_arithmetic3A_120 : vector<32x1xi32>
    %gt3A_122 = vector.broadcast %shift_right_arithmetic3A_121 : vector<32x1xi32> to vector<32x768xi32>
    %gt3A_123 = arith.cmpi sgt, %bitcast_convert_type3A, %gt3A_122 : vector<32x768xi32>
    %convert_element_type3A_124 = arith.extui %gt3A_123 : vector<32x768xi1> to vector<32x768xi32>
    %reduce_sum3A_125 = arith.constant dense<0> : vector<32xi32>
    %reduce_sum3A_126 = vector.multi_reduction <add>, %convert_element_type3A_124, %reduce_sum3A_125 [1] : vector<32x768xi32> to vector<32xi32>
    %broadcast_in_dim3A_127 = vector.shape_cast %reduce_sum3A_126 : vector<32xi32> to vector<32x1xi32>
    %ge3A_128 = arith.constant 64 : i32
    %ge3A_129 = vector.broadcast %ge3A_128 : i32 to vector<32x1xi32>
    %ge3A_130 = arith.cmpi sge, %broadcast_in_dim3A_127, %ge3A_129 : vector<32x1xi32>
    %select_n3A_131 = arith.select %ge3A_130, %shift_right_arithmetic3A_121, %select_n3A_116 : vector<32x1xi1>, vector<32x1xi32>
    %select_n3A_132 = arith.select %ge3A_130, %select_n3A_117, %shift_right_arithmetic3A_121 : vector<32x1xi1>, vector<32x1xi32>
    %add3A_133 = arith.addi %select_n3A_131, %select_n3A_132 : vector<32x1xi32>
    %shift_right_arithmetic3A_134 = arith.constant 1 : i32
    %shift_right_arithmetic3A_135 = vector.broadcast %shift_right_arithmetic3A_134 : i32 to vector<32x1xi32>
    %shift_right_arithmetic3A_136 = arith.shrsi %add3A_133, %shift_right_arithmetic3A_135 : vector<32x1xi32>
    %gt3A_137 = vector.broadcast %shift_right_arithmetic3A_136 : vector<32x1xi32> to vector<32x768xi32>
    %gt3A_138 = arith.cmpi sgt, %bitcast_convert_type3A, %gt3A_137 : vector<32x768xi32>
    %convert_element_type3A_139 = arith.extui %gt3A_138 : vector<32x768xi1> to vector<32x768xi32>
    %reduce_sum3A_140 = arith.constant dense<0> : vector<32xi32>
    %reduce_sum3A_141 = vector.multi_reduction <add>, %convert_element_type3A_139, %reduce_sum3A_140 [1] : vector<32x768xi32> to vector<32xi32>
    %broadcast_in_dim3A_142 = vector.shape_cast %reduce_sum3A_141 : vector<32xi32> to vector<32x1xi32>
    %ge3A_143 = arith.constant 64 : i32
    %ge3A_144 = vector.broadcast %ge3A_143 : i32 to vector<32x1xi32>
    %ge3A_145 = arith.cmpi sge, %broadcast_in_dim3A_142, %ge3A_144 : vector<32x1xi32>
    %select_n3A_146 = arith.select %ge3A_145, %shift_right_arithmetic3A_136, %select_n3A_131 : vector<32x1xi1>, vector<32x1xi32>
    %select_n3A_147 = arith.select %ge3A_145, %select_n3A_132, %shift_right_arithmetic3A_136 : vector<32x1xi1>, vector<32x1xi32>
    %add3A_148 = arith.addi %select_n3A_146, %select_n3A_147 : vector<32x1xi32>
    %shift_right_arithmetic3A_149 = arith.constant 1 : i32
    %shift_right_arithmetic3A_150 = vector.broadcast %shift_right_arithmetic3A_149 : i32 to vector<32x1xi32>
    %shift_right_arithmetic3A_151 = arith.shrsi %add3A_148, %shift_right_arithmetic3A_150 : vector<32x1xi32>
    %gt3A_152 = vector.broadcast %shift_right_arithmetic3A_151 : vector<32x1xi32> to vector<32x768xi32>
    %gt3A_153 = arith.cmpi sgt, %bitcast_convert_type3A, %gt3A_152 : vector<32x768xi32>
    %convert_element_type3A_154 = arith.extui %gt3A_153 : vector<32x768xi1> to vector<32x768xi32>
    %reduce_sum3A_155 = arith.constant dense<0> : vector<32xi32>
    %reduce_sum3A_156 = vector.multi_reduction <add>, %convert_element_type3A_154, %reduce_sum3A_155 [1] : vector<32x768xi32> to vector<32xi32>
    %broadcast_in_dim3A_157 = vector.shape_cast %reduce_sum3A_156 : vector<32xi32> to vector<32x1xi32>
    %ge3A_158 = arith.constant 64 : i32
    %ge3A_159 = vector.broadcast %ge3A_158 : i32 to vector<32x1xi32>
    %ge3A_160 = arith.cmpi sge, %broadcast_in_dim3A_157, %ge3A_159 : vector<32x1xi32>
    %select_n3A_161 = arith.select %ge3A_160, %shift_right_arithmetic3A_151, %select_n3A_146 : vector<32x1xi1>, vector<32x1xi32>
    %select_n3A_162 = arith.select %ge3A_160, %select_n3A_147, %shift_right_arithmetic3A_151 : vector<32x1xi1>, vector<32x1xi32>
    %add3A_163 = arith.addi %select_n3A_161, %select_n3A_162 : vector<32x1xi32>
    %shift_right_arithmetic3A_164 = arith.constant 1 : i32
    %shift_right_arithmetic3A_165 = vector.broadcast %shift_right_arithmetic3A_164 : i32 to vector<32x1xi32>
    %shift_right_arithmetic3A_166 = arith.shrsi %add3A_163, %shift_right_arithmetic3A_165 : vector<32x1xi32>
    %gt3A_167 = vector.broadcast %shift_right_arithmetic3A_166 : vector<32x1xi32> to vector<32x768xi32>
    %gt3A_168 = arith.cmpi sgt, %bitcast_convert_type3A, %gt3A_167 : vector<32x768xi32>
    %convert_element_type3A_169 = arith.extui %gt3A_168 : vector<32x768xi1> to vector<32x768xi32>
    %reduce_sum3A_170 = arith.constant dense<0> : vector<32xi32>
    %reduce_sum3A_171 = vector.multi_reduction <add>, %convert_element_type3A_169, %reduce_sum3A_170 [1] : vector<32x768xi32> to vector<32xi32>
    %broadcast_in_dim3A_172 = vector.shape_cast %reduce_sum3A_171 : vector<32xi32> to vector<32x1xi32>
    %ge3A_173 = arith.constant 64 : i32
    %ge3A_174 = vector.broadcast %ge3A_173 : i32 to vector<32x1xi32>
    %ge3A_175 = arith.cmpi sge, %broadcast_in_dim3A_172, %ge3A_174 : vector<32x1xi32>
    %select_n3A_176 = arith.select %ge3A_175, %shift_right_arithmetic3A_166, %select_n3A_161 : vector<32x1xi1>, vector<32x1xi32>
    %select_n3A_177 = arith.select %ge3A_175, %select_n3A_162, %shift_right_arithmetic3A_166 : vector<32x1xi1>, vector<32x1xi32>
    %add3A_178 = arith.addi %select_n3A_176, %select_n3A_177 : vector<32x1xi32>
    %shift_right_arithmetic3A_179 = arith.constant 1 : i32
    %shift_right_arithmetic3A_180 = vector.broadcast %shift_right_arithmetic3A_179 : i32 to vector<32x1xi32>
    %shift_right_arithmetic3A_181 = arith.shrsi %add3A_178, %shift_right_arithmetic3A_180 : vector<32x1xi32>
    %gt3A_182 = vector.broadcast %shift_right_arithmetic3A_181 : vector<32x1xi32> to vector<32x768xi32>
    %gt3A_183 = arith.cmpi sgt, %bitcast_convert_type3A, %gt3A_182 : vector<32x768xi32>
    %convert_element_type3A_184 = arith.extui %gt3A_183 : vector<32x768xi1> to vector<32x768xi32>
    %reduce_sum3A_185 = arith.constant dense<0> : vector<32xi32>
    %reduce_sum3A_186 = vector.multi_reduction <add>, %convert_element_type3A_184, %reduce_sum3A_185 [1] : vector<32x768xi32> to vector<32xi32>
    %broadcast_in_dim3A_187 = vector.shape_cast %reduce_sum3A_186 : vector<32xi32> to vector<32x1xi32>
    %ge3A_188 = arith.constant 64 : i32
    %ge3A_189 = vector.broadcast %ge3A_188 : i32 to vector<32x1xi32>
    %ge3A_190 = arith.cmpi sge, %broadcast_in_dim3A_187, %ge3A_189 : vector<32x1xi32>
    %select_n3A_191 = arith.select %ge3A_190, %shift_right_arithmetic3A_181, %select_n3A_176 : vector<32x1xi1>, vector<32x1xi32>
    %select_n3A_192 = arith.select %ge3A_190, %select_n3A_177, %shift_right_arithmetic3A_181 : vector<32x1xi1>, vector<32x1xi32>
    %add3A_193 = arith.addi %select_n3A_191, %select_n3A_192 : vector<32x1xi32>
    %shift_right_arithmetic3A_194 = arith.constant 1 : i32
    %shift_right_arithmetic3A_195 = vector.broadcast %shift_right_arithmetic3A_194 : i32 to vector<32x1xi32>
    %shift_right_arithmetic3A_196 = arith.shrsi %add3A_193, %shift_right_arithmetic3A_195 : vector<32x1xi32>
    %gt3A_197 = vector.broadcast %shift_right_arithmetic3A_196 : vector<32x1xi32> to vector<32x768xi32>
    %gt3A_198 = arith.cmpi sgt, %bitcast_convert_type3A, %gt3A_197 : vector<32x768xi32>
    %convert_element_type3A_199 = arith.extui %gt3A_198 : vector<32x768xi1> to vector<32x768xi32>
    %reduce_sum3A_200 = arith.constant dense<0> : vector<32xi32>
    %reduce_sum3A_201 = vector.multi_reduction <add>, %convert_element_type3A_199, %reduce_sum3A_200 [1] : vector<32x768xi32> to vector<32xi32>
    %broadcast_in_dim3A_202 = vector.shape_cast %reduce_sum3A_201 : vector<32xi32> to vector<32x1xi32>
    %ge3A_203 = arith.constant 64 : i32
    %ge3A_204 = vector.broadcast %ge3A_203 : i32 to vector<32x1xi32>
    %ge3A_205 = arith.cmpi sge, %broadcast_in_dim3A_202, %ge3A_204 : vector<32x1xi32>
    %select_n3A_206 = arith.select %ge3A_205, %shift_right_arithmetic3A_196, %select_n3A_191 : vector<32x1xi1>, vector<32x1xi32>
    %select_n3A_207 = arith.select %ge3A_205, %select_n3A_192, %shift_right_arithmetic3A_196 : vector<32x1xi1>, vector<32x1xi32>
    %add3A_208 = arith.addi %select_n3A_206, %select_n3A_207 : vector<32x1xi32>
    %shift_right_arithmetic3A_209 = arith.constant 1 : i32
    %shift_right_arithmetic3A_210 = vector.broadcast %shift_right_arithmetic3A_209 : i32 to vector<32x1xi32>
    %shift_right_arithmetic3A_211 = arith.shrsi %add3A_208, %shift_right_arithmetic3A_210 : vector<32x1xi32>
    %gt3A_212 = vector.broadcast %shift_right_arithmetic3A_211 : vector<32x1xi32> to vector<32x768xi32>
    %gt3A_213 = arith.cmpi sgt, %bitcast_convert_type3A, %gt3A_212 : vector<32x768xi32>
    %convert_element_type3A_214 = arith.extui %gt3A_213 : vector<32x768xi1> to vector<32x768xi32>
    %reduce_sum3A_215 = arith.constant dense<0> : vector<32xi32>
    %reduce_sum3A_216 = vector.multi_reduction <add>, %convert_element_type3A_214, %reduce_sum3A_215 [1] : vector<32x768xi32> to vector<32xi32>
    %broadcast_in_dim3A_217 = vector.shape_cast %reduce_sum3A_216 : vector<32xi32> to vector<32x1xi32>
    %ge3A_218 = arith.constant 64 : i32
    %ge3A_219 = vector.broadcast %ge3A_218 : i32 to vector<32x1xi32>
    %ge3A_220 = arith.cmpi sge, %broadcast_in_dim3A_217, %ge3A_219 : vector<32x1xi32>
    %select_n3A_221 = arith.select %ge3A_220, %shift_right_arithmetic3A_211, %select_n3A_206 : vector<32x1xi1>, vector<32x1xi32>
    %select_n3A_222 = arith.select %ge3A_220, %select_n3A_207, %shift_right_arithmetic3A_211 : vector<32x1xi1>, vector<32x1xi32>
    %add3A_223 = arith.addi %select_n3A_221, %select_n3A_222 : vector<32x1xi32>
    %shift_right_arithmetic3A_224 = arith.constant 1 : i32
    %shift_right_arithmetic3A_225 = vector.broadcast %shift_right_arithmetic3A_224 : i32 to vector<32x1xi32>
    %shift_right_arithmetic3A_226 = arith.shrsi %add3A_223, %shift_right_arithmetic3A_225 : vector<32x1xi32>
    %gt3A_227 = vector.broadcast %shift_right_arithmetic3A_226 : vector<32x1xi32> to vector<32x768xi32>
    %gt3A_228 = arith.cmpi sgt, %bitcast_convert_type3A, %gt3A_227 : vector<32x768xi32>
    %convert_element_type3A_229 = arith.extui %gt3A_228 : vector<32x768xi1> to vector<32x768xi32>
    %reduce_sum3A_230 = arith.constant dense<0> : vector<32xi32>
    %reduce_sum3A_231 = vector.multi_reduction <add>, %convert_element_type3A_229, %reduce_sum3A_230 [1] : vector<32x768xi32> to vector<32xi32>
    %broadcast_in_dim3A_232 = vector.shape_cast %reduce_sum3A_231 : vector<32xi32> to vector<32x1xi32>
    %ge3A_233 = arith.constant 64 : i32
    %ge3A_234 = vector.broadcast %ge3A_233 : i32 to vector<32x1xi32>
    %ge3A_235 = arith.cmpi sge, %broadcast_in_dim3A_232, %ge3A_234 : vector<32x1xi32>
    %select_n3A_236 = arith.select %ge3A_235, %shift_right_arithmetic3A_226, %select_n3A_221 : vector<32x1xi1>, vector<32x1xi32>
    %select_n3A_237 = arith.select %ge3A_235, %select_n3A_222, %shift_right_arithmetic3A_226 : vector<32x1xi1>, vector<32x1xi32>
    %add3A_238 = arith.addi %select_n3A_236, %select_n3A_237 : vector<32x1xi32>
    %shift_right_arithmetic3A_239 = arith.constant 1 : i32
    %shift_right_arithmetic3A_240 = vector.broadcast %shift_right_arithmetic3A_239 : i32 to vector<32x1xi32>
    %shift_right_arithmetic3A_241 = arith.shrsi %add3A_238, %shift_right_arithmetic3A_240 : vector<32x1xi32>
    %gt3A_242 = vector.broadcast %shift_right_arithmetic3A_241 : vector<32x1xi32> to vector<32x768xi32>
    %gt3A_243 = arith.cmpi sgt, %bitcast_convert_type3A, %gt3A_242 : vector<32x768xi32>
    %convert_element_type3A_244 = arith.extui %gt3A_243 : vector<32x768xi1> to vector<32x768xi32>
    %reduce_sum3A_245 = arith.constant dense<0> : vector<32xi32>
    %reduce_sum3A_246 = vector.multi_reduction <add>, %convert_element_type3A_244, %reduce_sum3A_245 [1] : vector<32x768xi32> to vector<32xi32>
    %broadcast_in_dim3A_247 = vector.shape_cast %reduce_sum3A_246 : vector<32xi32> to vector<32x1xi32>
    %ge3A_248 = arith.constant 64 : i32
    %ge3A_249 = vector.broadcast %ge3A_248 : i32 to vector<32x1xi32>
    %ge3A_250 = arith.cmpi sge, %broadcast_in_dim3A_247, %ge3A_249 : vector<32x1xi32>
    %select_n3A_251 = arith.select %ge3A_250, %shift_right_arithmetic3A_241, %select_n3A_236 : vector<32x1xi1>, vector<32x1xi32>
    %select_n3A_252 = arith.select %ge3A_250, %select_n3A_237, %shift_right_arithmetic3A_241 : vector<32x1xi1>, vector<32x1xi32>
    %add3A_253 = arith.addi %select_n3A_251, %select_n3A_252 : vector<32x1xi32>
    %shift_right_arithmetic3A_254 = arith.constant 1 : i32
    %shift_right_arithmetic3A_255 = vector.broadcast %shift_right_arithmetic3A_254 : i32 to vector<32x1xi32>
    %shift_right_arithmetic3A_256 = arith.shrsi %add3A_253, %shift_right_arithmetic3A_255 : vector<32x1xi32>
    %gt3A_257 = vector.broadcast %shift_right_arithmetic3A_256 : vector<32x1xi32> to vector<32x768xi32>
    %gt3A_258 = arith.cmpi sgt, %bitcast_convert_type3A, %gt3A_257 : vector<32x768xi32>
    %convert_element_type3A_259 = arith.extui %gt3A_258 : vector<32x768xi1> to vector<32x768xi32>
    %reduce_sum3A_260 = arith.constant dense<0> : vector<32xi32>
    %reduce_sum3A_261 = vector.multi_reduction <add>, %convert_element_type3A_259, %reduce_sum3A_260 [1] : vector<32x768xi32> to vector<32xi32>
    %broadcast_in_dim3A_262 = vector.shape_cast %reduce_sum3A_261 : vector<32xi32> to vector<32x1xi32>
    %ge3A_263 = arith.constant 64 : i32
    %ge3A_264 = vector.broadcast %ge3A_263 : i32 to vector<32x1xi32>
    %ge3A_265 = arith.cmpi sge, %broadcast_in_dim3A_262, %ge3A_264 : vector<32x1xi32>
    %select_n3A_266 = arith.select %ge3A_265, %shift_right_arithmetic3A_256, %select_n3A_251 : vector<32x1xi1>, vector<32x1xi32>
    %select_n3A_267 = arith.select %ge3A_265, %select_n3A_252, %shift_right_arithmetic3A_256 : vector<32x1xi1>, vector<32x1xi32>
    %add3A_268 = arith.addi %select_n3A_266, %select_n3A_267 : vector<32x1xi32>
    %shift_right_arithmetic3A_269 = arith.constant 1 : i32
    %shift_right_arithmetic3A_270 = vector.broadcast %shift_right_arithmetic3A_269 : i32 to vector<32x1xi32>
    %shift_right_arithmetic3A_271 = arith.shrsi %add3A_268, %shift_right_arithmetic3A_270 : vector<32x1xi32>
    %gt3A_272 = vector.broadcast %shift_right_arithmetic3A_271 : vector<32x1xi32> to vector<32x768xi32>
    %gt3A_273 = arith.cmpi sgt, %bitcast_convert_type3A, %gt3A_272 : vector<32x768xi32>
    %convert_element_type3A_274 = arith.extui %gt3A_273 : vector<32x768xi1> to vector<32x768xi32>
    %reduce_sum3A_275 = arith.constant dense<0> : vector<32xi32>
    %reduce_sum3A_276 = vector.multi_reduction <add>, %convert_element_type3A_274, %reduce_sum3A_275 [1] : vector<32x768xi32> to vector<32xi32>
    %broadcast_in_dim3A_277 = vector.shape_cast %reduce_sum3A_276 : vector<32xi32> to vector<32x1xi32>
    %ge3A_278 = arith.constant 64 : i32
    %ge3A_279 = vector.broadcast %ge3A_278 : i32 to vector<32x1xi32>
    %ge3A_280 = arith.cmpi sge, %broadcast_in_dim3A_277, %ge3A_279 : vector<32x1xi32>
    %select_n3A_281 = arith.select %ge3A_280, %shift_right_arithmetic3A_271, %select_n3A_266 : vector<32x1xi1>, vector<32x1xi32>
    %select_n3A_282 = arith.select %ge3A_280, %select_n3A_267, %shift_right_arithmetic3A_271 : vector<32x1xi1>, vector<32x1xi32>
    %add3A_283 = arith.addi %select_n3A_281, %select_n3A_282 : vector<32x1xi32>
    %shift_right_arithmetic3A_284 = arith.constant 1 : i32
    %shift_right_arithmetic3A_285 = vector.broadcast %shift_right_arithmetic3A_284 : i32 to vector<32x1xi32>
    %shift_right_arithmetic3A_286 = arith.shrsi %add3A_283, %shift_right_arithmetic3A_285 : vector<32x1xi32>
    %gt3A_287 = vector.broadcast %shift_right_arithmetic3A_286 : vector<32x1xi32> to vector<32x768xi32>
    %gt3A_288 = arith.cmpi sgt, %bitcast_convert_type3A, %gt3A_287 : vector<32x768xi32>
    %convert_element_type3A_289 = arith.extui %gt3A_288 : vector<32x768xi1> to vector<32x768xi32>
    %reduce_sum3A_290 = arith.constant dense<0> : vector<32xi32>
    %reduce_sum3A_291 = vector.multi_reduction <add>, %convert_element_type3A_289, %reduce_sum3A_290 [1] : vector<32x768xi32> to vector<32xi32>
    %broadcast_in_dim3A_292 = vector.shape_cast %reduce_sum3A_291 : vector<32xi32> to vector<32x1xi32>
    %ge3A_293 = arith.constant 64 : i32
    %ge3A_294 = vector.broadcast %ge3A_293 : i32 to vector<32x1xi32>
    %ge3A_295 = arith.cmpi sge, %broadcast_in_dim3A_292, %ge3A_294 : vector<32x1xi32>
    %select_n3A_296 = arith.select %ge3A_295, %shift_right_arithmetic3A_286, %select_n3A_281 : vector<32x1xi1>, vector<32x1xi32>
    %select_n3A_297 = arith.select %ge3A_295, %select_n3A_282, %shift_right_arithmetic3A_286 : vector<32x1xi1>, vector<32x1xi32>
    %add3A_298 = arith.addi %select_n3A_296, %select_n3A_297 : vector<32x1xi32>
    %shift_right_arithmetic3A_299 = arith.constant 1 : i32
    %shift_right_arithmetic3A_300 = vector.broadcast %shift_right_arithmetic3A_299 : i32 to vector<32x1xi32>
    %shift_right_arithmetic3A_301 = arith.shrsi %add3A_298, %shift_right_arithmetic3A_300 : vector<32x1xi32>
    %gt3A_302 = vector.broadcast %shift_right_arithmetic3A_301 : vector<32x1xi32> to vector<32x768xi32>
    %gt3A_303 = arith.cmpi sgt, %bitcast_convert_type3A, %gt3A_302 : vector<32x768xi32>
    %convert_element_type3A_304 = arith.extui %gt3A_303 : vector<32x768xi1> to vector<32x768xi32>
    %reduce_sum3A_305 = arith.constant dense<0> : vector<32xi32>
    %reduce_sum3A_306 = vector.multi_reduction <add>, %convert_element_type3A_304, %reduce_sum3A_305 [1] : vector<32x768xi32> to vector<32xi32>
    %broadcast_in_dim3A_307 = vector.shape_cast %reduce_sum3A_306 : vector<32xi32> to vector<32x1xi32>
    %ge3A_308 = arith.constant 64 : i32
    %ge3A_309 = vector.broadcast %ge3A_308 : i32 to vector<32x1xi32>
    %ge3A_310 = arith.cmpi sge, %broadcast_in_dim3A_307, %ge3A_309 : vector<32x1xi32>
    %select_n3A_311 = arith.select %ge3A_310, %shift_right_arithmetic3A_301, %select_n3A_296 : vector<32x1xi1>, vector<32x1xi32>
    %select_n3A_312 = arith.select %ge3A_310, %select_n3A_297, %shift_right_arithmetic3A_301 : vector<32x1xi1>, vector<32x1xi32>
    %add3A_313 = arith.addi %select_n3A_311, %select_n3A_312 : vector<32x1xi32>
    %shift_right_arithmetic3A_314 = arith.constant 1 : i32
    %shift_right_arithmetic3A_315 = vector.broadcast %shift_right_arithmetic3A_314 : i32 to vector<32x1xi32>
    %shift_right_arithmetic3A_316 = arith.shrsi %add3A_313, %shift_right_arithmetic3A_315 : vector<32x1xi32>
    %gt3A_317 = vector.broadcast %shift_right_arithmetic3A_316 : vector<32x1xi32> to vector<32x768xi32>
    %gt3A_318 = arith.cmpi sgt, %bitcast_convert_type3A, %gt3A_317 : vector<32x768xi32>
    %convert_element_type3A_319 = arith.extui %gt3A_318 : vector<32x768xi1> to vector<32x768xi32>
    %reduce_sum3A_320 = arith.constant dense<0> : vector<32xi32>
    %reduce_sum3A_321 = vector.multi_reduction <add>, %convert_element_type3A_319, %reduce_sum3A_320 [1] : vector<32x768xi32> to vector<32xi32>
    %broadcast_in_dim3A_322 = vector.shape_cast %reduce_sum3A_321 : vector<32xi32> to vector<32x1xi32>
    %ge3A_323 = arith.constant 64 : i32
    %ge3A_324 = vector.broadcast %ge3A_323 : i32 to vector<32x1xi32>
    %ge3A_325 = arith.cmpi sge, %broadcast_in_dim3A_322, %ge3A_324 : vector<32x1xi32>
    %select_n3A_326 = arith.select %ge3A_325, %shift_right_arithmetic3A_316, %select_n3A_311 : vector<32x1xi1>, vector<32x1xi32>
    %select_n3A_327 = arith.select %ge3A_325, %select_n3A_312, %shift_right_arithmetic3A_316 : vector<32x1xi1>, vector<32x1xi32>
    %add3A_328 = arith.addi %select_n3A_326, %select_n3A_327 : vector<32x1xi32>
    %shift_right_arithmetic3A_329 = arith.constant 1 : i32
    %shift_right_arithmetic3A_330 = vector.broadcast %shift_right_arithmetic3A_329 : i32 to vector<32x1xi32>
    %shift_right_arithmetic3A_331 = arith.shrsi %add3A_328, %shift_right_arithmetic3A_330 : vector<32x1xi32>
    %gt3A_332 = vector.broadcast %shift_right_arithmetic3A_331 : vector<32x1xi32> to vector<32x768xi32>
    %gt3A_333 = arith.cmpi sgt, %bitcast_convert_type3A, %gt3A_332 : vector<32x768xi32>
    %convert_element_type3A_334 = arith.extui %gt3A_333 : vector<32x768xi1> to vector<32x768xi32>
    %reduce_sum3A_335 = arith.constant dense<0> : vector<32xi32>
    %reduce_sum3A_336 = vector.multi_reduction <add>, %convert_element_type3A_334, %reduce_sum3A_335 [1] : vector<32x768xi32> to vector<32xi32>
    %broadcast_in_dim3A_337 = vector.shape_cast %reduce_sum3A_336 : vector<32xi32> to vector<32x1xi32>
    %ge3A_338 = arith.constant 64 : i32
    %ge3A_339 = vector.broadcast %ge3A_338 : i32 to vector<32x1xi32>
    %ge3A_340 = arith.cmpi sge, %broadcast_in_dim3A_337, %ge3A_339 : vector<32x1xi32>
    %select_n3A_341 = arith.select %ge3A_340, %shift_right_arithmetic3A_331, %select_n3A_326 : vector<32x1xi1>, vector<32x1xi32>
    %select_n3A_342 = arith.select %ge3A_340, %select_n3A_327, %shift_right_arithmetic3A_331 : vector<32x1xi1>, vector<32x1xi32>
    %add3A_343 = arith.addi %select_n3A_341, %select_n3A_342 : vector<32x1xi32>
    %shift_right_arithmetic3A_344 = arith.constant 1 : i32
    %shift_right_arithmetic3A_345 = vector.broadcast %shift_right_arithmetic3A_344 : i32 to vector<32x1xi32>
    %shift_right_arithmetic3A_346 = arith.shrsi %add3A_343, %shift_right_arithmetic3A_345 : vector<32x1xi32>
    %gt3A_347 = vector.broadcast %shift_right_arithmetic3A_346 : vector<32x1xi32> to vector<32x768xi32>
    %gt3A_348 = arith.cmpi sgt, %bitcast_convert_type3A, %gt3A_347 : vector<32x768xi32>
    %convert_element_type3A_349 = arith.extui %gt3A_348 : vector<32x768xi1> to vector<32x768xi32>
    %reduce_sum3A_350 = arith.constant dense<0> : vector<32xi32>
    %reduce_sum3A_351 = vector.multi_reduction <add>, %convert_element_type3A_349, %reduce_sum3A_350 [1] : vector<32x768xi32> to vector<32xi32>
    %broadcast_in_dim3A_352 = vector.shape_cast %reduce_sum3A_351 : vector<32xi32> to vector<32x1xi32>
    %ge3A_353 = arith.constant 64 : i32
    %ge3A_354 = vector.broadcast %ge3A_353 : i32 to vector<32x1xi32>
    %ge3A_355 = arith.cmpi sge, %broadcast_in_dim3A_352, %ge3A_354 : vector<32x1xi32>
    %select_n3A_356 = arith.select %ge3A_355, %shift_right_arithmetic3A_346, %select_n3A_341 : vector<32x1xi1>, vector<32x1xi32>
    %select_n3A_357 = arith.select %ge3A_355, %select_n3A_342, %shift_right_arithmetic3A_346 : vector<32x1xi1>, vector<32x1xi32>
    %add3A_358 = arith.addi %select_n3A_356, %select_n3A_357 : vector<32x1xi32>
    %shift_right_arithmetic3A_359 = arith.constant 1 : i32
    %shift_right_arithmetic3A_360 = vector.broadcast %shift_right_arithmetic3A_359 : i32 to vector<32x1xi32>
    %shift_right_arithmetic3A_361 = arith.shrsi %add3A_358, %shift_right_arithmetic3A_360 : vector<32x1xi32>
    %gt3A_362 = vector.broadcast %shift_right_arithmetic3A_361 : vector<32x1xi32> to vector<32x768xi32>
    %gt3A_363 = arith.cmpi sgt, %bitcast_convert_type3A, %gt3A_362 : vector<32x768xi32>
    %convert_element_type3A_364 = arith.extui %gt3A_363 : vector<32x768xi1> to vector<32x768xi32>
    %reduce_sum3A_365 = arith.constant dense<0> : vector<32xi32>
    %reduce_sum3A_366 = vector.multi_reduction <add>, %convert_element_type3A_364, %reduce_sum3A_365 [1] : vector<32x768xi32> to vector<32xi32>
    %broadcast_in_dim3A_367 = vector.shape_cast %reduce_sum3A_366 : vector<32xi32> to vector<32x1xi32>
    %ge3A_368 = arith.constant 64 : i32
    %ge3A_369 = vector.broadcast %ge3A_368 : i32 to vector<32x1xi32>
    %ge3A_370 = arith.cmpi sge, %broadcast_in_dim3A_367, %ge3A_369 : vector<32x1xi32>
    %select_n3A_371 = arith.select %ge3A_370, %shift_right_arithmetic3A_361, %select_n3A_356 : vector<32x1xi1>, vector<32x1xi32>
    %select_n3A_372 = arith.select %ge3A_370, %select_n3A_357, %shift_right_arithmetic3A_361 : vector<32x1xi1>, vector<32x1xi32>
    %add3A_373 = arith.addi %select_n3A_371, %select_n3A_372 : vector<32x1xi32>
    %shift_right_arithmetic3A_374 = arith.constant 1 : i32
    %shift_right_arithmetic3A_375 = vector.broadcast %shift_right_arithmetic3A_374 : i32 to vector<32x1xi32>
    %shift_right_arithmetic3A_376 = arith.shrsi %add3A_373, %shift_right_arithmetic3A_375 : vector<32x1xi32>
    %gt3A_377 = vector.broadcast %shift_right_arithmetic3A_376 : vector<32x1xi32> to vector<32x768xi32>
    %gt3A_378 = arith.cmpi sgt, %bitcast_convert_type3A, %gt3A_377 : vector<32x768xi32>
    %convert_element_type3A_379 = arith.extui %gt3A_378 : vector<32x768xi1> to vector<32x768xi32>
    %reduce_sum3A_380 = arith.constant dense<0> : vector<32xi32>
    %reduce_sum3A_381 = vector.multi_reduction <add>, %convert_element_type3A_379, %reduce_sum3A_380 [1] : vector<32x768xi32> to vector<32xi32>
    %broadcast_in_dim3A_382 = vector.shape_cast %reduce_sum3A_381 : vector<32xi32> to vector<32x1xi32>
    %ge3A_383 = arith.constant 64 : i32
    %ge3A_384 = vector.broadcast %ge3A_383 : i32 to vector<32x1xi32>
    %ge3A_385 = arith.cmpi sge, %broadcast_in_dim3A_382, %ge3A_384 : vector<32x1xi32>
    %select_n3A_386 = arith.select %ge3A_385, %shift_right_arithmetic3A_376, %select_n3A_371 : vector<32x1xi1>, vector<32x1xi32>
    %select_n3A_387 = arith.select %ge3A_385, %select_n3A_372, %shift_right_arithmetic3A_376 : vector<32x1xi1>, vector<32x1xi32>
    %add3A_388 = arith.addi %select_n3A_386, %select_n3A_387 : vector<32x1xi32>
    %shift_right_arithmetic3A_389 = arith.constant 1 : i32
    %shift_right_arithmetic3A_390 = vector.broadcast %shift_right_arithmetic3A_389 : i32 to vector<32x1xi32>
    %shift_right_arithmetic3A_391 = arith.shrsi %add3A_388, %shift_right_arithmetic3A_390 : vector<32x1xi32>
    %gt3A_392 = vector.broadcast %shift_right_arithmetic3A_391 : vector<32x1xi32> to vector<32x768xi32>
    %gt3A_393 = arith.cmpi sgt, %bitcast_convert_type3A, %gt3A_392 : vector<32x768xi32>
    %convert_element_type3A_394 = arith.extui %gt3A_393 : vector<32x768xi1> to vector<32x768xi32>
    %reduce_sum3A_395 = arith.constant dense<0> : vector<32xi32>
    %reduce_sum3A_396 = vector.multi_reduction <add>, %convert_element_type3A_394, %reduce_sum3A_395 [1] : vector<32x768xi32> to vector<32xi32>
    %broadcast_in_dim3A_397 = vector.shape_cast %reduce_sum3A_396 : vector<32xi32> to vector<32x1xi32>
    %ge3A_398 = arith.constant 64 : i32
    %ge3A_399 = vector.broadcast %ge3A_398 : i32 to vector<32x1xi32>
    %ge3A_400 = arith.cmpi sge, %broadcast_in_dim3A_397, %ge3A_399 : vector<32x1xi32>
    %select_n3A_401 = arith.select %ge3A_400, %shift_right_arithmetic3A_391, %select_n3A_386 : vector<32x1xi1>, vector<32x1xi32>
    %select_n3A_402 = arith.select %ge3A_400, %select_n3A_387, %shift_right_arithmetic3A_391 : vector<32x1xi1>, vector<32x1xi32>
    %add3A_403 = arith.addi %select_n3A_401, %select_n3A_402 : vector<32x1xi32>
    %shift_right_arithmetic3A_404 = arith.constant 1 : i32
    %shift_right_arithmetic3A_405 = vector.broadcast %shift_right_arithmetic3A_404 : i32 to vector<32x1xi32>
    %shift_right_arithmetic3A_406 = arith.shrsi %add3A_403, %shift_right_arithmetic3A_405 : vector<32x1xi32>
    %gt3A_407 = vector.broadcast %shift_right_arithmetic3A_406 : vector<32x1xi32> to vector<32x768xi32>
    %gt3A_408 = arith.cmpi sgt, %bitcast_convert_type3A, %gt3A_407 : vector<32x768xi32>
    %convert_element_type3A_409 = arith.extui %gt3A_408 : vector<32x768xi1> to vector<32x768xi32>
    %reduce_sum3A_410 = arith.constant dense<0> : vector<32xi32>
    %reduce_sum3A_411 = vector.multi_reduction <add>, %convert_element_type3A_409, %reduce_sum3A_410 [1] : vector<32x768xi32> to vector<32xi32>
    %broadcast_in_dim3A_412 = vector.shape_cast %reduce_sum3A_411 : vector<32xi32> to vector<32x1xi32>
    %ge3A_413 = arith.constant 64 : i32
    %ge3A_414 = vector.broadcast %ge3A_413 : i32 to vector<32x1xi32>
    %ge3A_415 = arith.cmpi sge, %broadcast_in_dim3A_412, %ge3A_414 : vector<32x1xi32>
    %select_n3A_416 = arith.select %ge3A_415, %shift_right_arithmetic3A_406, %select_n3A_401 : vector<32x1xi1>, vector<32x1xi32>
    %select_n3A_417 = arith.select %ge3A_415, %select_n3A_402, %shift_right_arithmetic3A_406 : vector<32x1xi1>, vector<32x1xi32>
    %add3A_418 = arith.addi %select_n3A_416, %select_n3A_417 : vector<32x1xi32>
    %shift_right_arithmetic3A_419 = arith.constant 1 : i32
    %shift_right_arithmetic3A_420 = vector.broadcast %shift_right_arithmetic3A_419 : i32 to vector<32x1xi32>
    %shift_right_arithmetic3A_421 = arith.shrsi %add3A_418, %shift_right_arithmetic3A_420 : vector<32x1xi32>
    %gt3A_422 = vector.broadcast %shift_right_arithmetic3A_421 : vector<32x1xi32> to vector<32x768xi32>
    %gt3A_423 = arith.cmpi sgt, %bitcast_convert_type3A, %gt3A_422 : vector<32x768xi32>
    %convert_element_type3A_424 = arith.extui %gt3A_423 : vector<32x768xi1> to vector<32x768xi32>
    %reduce_sum3A_425 = arith.constant dense<0> : vector<32xi32>
    %reduce_sum3A_426 = vector.multi_reduction <add>, %convert_element_type3A_424, %reduce_sum3A_425 [1] : vector<32x768xi32> to vector<32xi32>
    %broadcast_in_dim3A_427 = vector.shape_cast %reduce_sum3A_426 : vector<32xi32> to vector<32x1xi32>
    %ge3A_428 = arith.constant 64 : i32
    %ge3A_429 = vector.broadcast %ge3A_428 : i32 to vector<32x1xi32>
    %ge3A_430 = arith.cmpi sge, %broadcast_in_dim3A_427, %ge3A_429 : vector<32x1xi32>
    %select_n3A_431 = arith.select %ge3A_430, %shift_right_arithmetic3A_421, %select_n3A_416 : vector<32x1xi1>, vector<32x1xi32>
    %select_n3A_432 = arith.select %ge3A_430, %select_n3A_417, %shift_right_arithmetic3A_421 : vector<32x1xi1>, vector<32x1xi32>
    %add3A_433 = arith.addi %select_n3A_431, %select_n3A_432 : vector<32x1xi32>
    %shift_right_arithmetic3A_434 = arith.constant 1 : i32
    %shift_right_arithmetic3A_435 = vector.broadcast %shift_right_arithmetic3A_434 : i32 to vector<32x1xi32>
    %shift_right_arithmetic3A_436 = arith.shrsi %add3A_433, %shift_right_arithmetic3A_435 : vector<32x1xi32>
    %gt3A_437 = vector.broadcast %shift_right_arithmetic3A_436 : vector<32x1xi32> to vector<32x768xi32>
    %gt3A_438 = arith.cmpi sgt, %bitcast_convert_type3A, %gt3A_437 : vector<32x768xi32>
    %convert_element_type3A_439 = arith.extui %gt3A_438 : vector<32x768xi1> to vector<32x768xi32>
    %reduce_sum3A_440 = arith.constant dense<0> : vector<32xi32>
    %reduce_sum3A_441 = vector.multi_reduction <add>, %convert_element_type3A_439, %reduce_sum3A_440 [1] : vector<32x768xi32> to vector<32xi32>
    %broadcast_in_dim3A_442 = vector.shape_cast %reduce_sum3A_441 : vector<32xi32> to vector<32x1xi32>
    %ge3A_443 = arith.constant 64 : i32
    %ge3A_444 = vector.broadcast %ge3A_443 : i32 to vector<32x1xi32>
    %ge3A_445 = arith.cmpi sge, %broadcast_in_dim3A_442, %ge3A_444 : vector<32x1xi32>
    %select_n3A_446 = arith.select %ge3A_445, %shift_right_arithmetic3A_436, %select_n3A_431 : vector<32x1xi1>, vector<32x1xi32>
    %select_n3A_447 = arith.select %ge3A_445, %select_n3A_432, %shift_right_arithmetic3A_436 : vector<32x1xi1>, vector<32x1xi32>
    %add3A_448 = arith.addi %select_n3A_446, %select_n3A_447 : vector<32x1xi32>
    %shift_right_arithmetic3A_449 = arith.constant 1 : i32
    %shift_right_arithmetic3A_450 = vector.broadcast %shift_right_arithmetic3A_449 : i32 to vector<32x1xi32>
    %shift_right_arithmetic3A_451 = arith.shrsi %add3A_448, %shift_right_arithmetic3A_450 : vector<32x1xi32>
    %gt3A_452 = vector.broadcast %shift_right_arithmetic3A_451 : vector<32x1xi32> to vector<32x768xi32>
    %gt3A_453 = arith.cmpi sgt, %bitcast_convert_type3A, %gt3A_452 : vector<32x768xi32>
    %convert_element_type3A_454 = arith.extui %gt3A_453 : vector<32x768xi1> to vector<32x768xi32>
    %reduce_sum3A_455 = arith.constant dense<0> : vector<32xi32>
    %reduce_sum3A_456 = vector.multi_reduction <add>, %convert_element_type3A_454, %reduce_sum3A_455 [1] : vector<32x768xi32> to vector<32xi32>
    %broadcast_in_dim3A_457 = vector.shape_cast %reduce_sum3A_456 : vector<32xi32> to vector<32x1xi32>
    %ge3A_458 = arith.constant 64 : i32
    %ge3A_459 = vector.broadcast %ge3A_458 : i32 to vector<32x1xi32>
    %ge3A_460 = arith.cmpi sge, %broadcast_in_dim3A_457, %ge3A_459 : vector<32x1xi32>
    %select_n3A_461 = arith.select %ge3A_460, %select_n3A_447, %shift_right_arithmetic3A_451 : vector<32x1xi1>, vector<32x1xi32>
    %gt3A_462 = vector.broadcast %select_n3A_461 : vector<32x1xi32> to vector<32x768xi32>
    %gt3A_463 = arith.cmpi sgt, %bitcast_convert_type3A, %gt3A_462 : vector<32x768xi32>
    %eq3A = vector.broadcast %select_n3A_461 : vector<32x1xi32> to vector<32x768xi32>
    %eq3A_464 = arith.cmpi eq, %bitcast_convert_type3A, %eq3A : vector<32x768xi32>
    %convert_element_type3A_465 = arith.extui %gt3A_463 : vector<32x768xi1> to vector<32x768xi32>
    %reduce_sum3A_466 = arith.constant dense<0> : vector<32xi32>
    %reduce_sum3A_467 = vector.multi_reduction <add>, %convert_element_type3A_465, %reduce_sum3A_466 [1] : vector<32x768xi32> to vector<32xi32>
    %broadcast_in_dim3A_468 = vector.shape_cast %reduce_sum3A_467 : vector<32xi32> to vector<32x1xi32>
    %iota3A = tpu.iota {dimensions = array<i32: 0>} : vector<768x768xi32>
    %iota3A_469 = tpu.iota {dimensions = array<i32: 1>} : vector<768x768xi32>
    %lt3A = arith.cmpi slt, %iota3A, %iota3A_469 : vector<768x768xi32>
    %convert_element_type3A_470 = arith.extui %lt3A : vector<768x768xi1> to vector<768x768xi32>
    %convert_element_type3A_471 = arith.sitofp %convert_element_type3A_470 : vector<768x768xi32> to vector<768x768xf32>
    %convert_element_type3A_472 = arith.extui %eq3A_464 : vector<32x768xi1> to vector<32x768xi32>
    %convert_element_type3A_473 = arith.sitofp %convert_element_type3A_472 : vector<32x768xi32> to vector<32x768xf32>
    %dot_general3A = arith.constant dense<0.000000e+00> : vector<32x768xf32>
    %dot_general3A_474 = tpu.matmul %convert_element_type3A_473, %convert_element_type3A_471, %dot_general3A {dimension_numbers = #tpu.dot_dimension_numbers<[1], [0], [0], [1], [0, 0, 1, 1], [], []>, transpose_lhs_hint = false} : vector<32x768xf32>, vector<768x768xf32>, vector<32x768xf32> -> vector<32x768xf32>
    %convert_element_type3A_475 = arith.fptosi %dot_general3A_474 : vector<32x768xf32> to vector<32x768xi32>
    %sub3A = arith.constant 64 : i32
    %sub3A_476 = vector.broadcast %sub3A : i32 to vector<32x1xi32>
    %sub3A_477 = arith.subi %sub3A_476, %broadcast_in_dim3A_468 : vector<32x1xi32>
    %lt3A_478 = vector.broadcast %sub3A_477 : vector<32x1xi32> to vector<32x768xi32>
    %lt3A_479 = arith.cmpi slt, %convert_element_type3A_475, %lt3A_478 : vector<32x768xi32>
    %and3A = arith.andi %eq3A_464, %lt3A_479 : vector<32x768xi1>
    %or3A = arith.ori %gt3A_463, %and3A : vector<32x768xi1>
    %convert_element_type3A_480 = arith.extui %or3A : vector<32x768xi1> to vector<32x768xi32>
    %convert_element_type3A_481 = arith.sitofp %convert_element_type3A_480 : vector<32x768xi32> to vector<32x768xf32>
    %dot_general3A_482 = arith.constant dense<0.000000e+00> : vector<32x768xf32>
    %dot_general3A_483 = tpu.matmul %convert_element_type3A_481, %convert_element_type3A_471, %dot_general3A_482 {dimension_numbers = #tpu.dot_dimension_numbers<[1], [0], [0], [1], [0, 0, 1, 1], [], []>, transpose_lhs_hint = false} : vector<32x768xf32>, vector<768x768xf32>, vector<32x768xf32> -> vector<32x768xf32>
    %convert_element_type3A_484 = arith.fptosi %dot_general3A_483 : vector<32x768xf32> to vector<32x768xi32>
    %jit3A = arith.constant -1 : i32
    %broadcast_in_dim3A_485 = vector.broadcast %jit3A : i32 to vector<32x768xi32>
    %select_n3A_486 = arith.select %or3A, %convert_element_type3A_484, %broadcast_in_dim3A_485 : vector<32x768xi1>, vector<32x768xi32>
    %iota3A_487 = tpu.iota {dimensions = array<i32: 1>} : vector<32x64x768xi32>
    %broadcast_in_dim3A_488 = vector.shape_cast %select_n3A_486 : vector<32x768xi32> to vector<32x1x768xi32>
    %eq3A_489 = vector.broadcast %broadcast_in_dim3A_488 : vector<32x1x768xi32> to vector<32x64x768xi32>
    %eq3A_490 = arith.cmpi eq, %eq3A_489, %iota3A_487 : vector<32x64x768xi32>
    %iota3A_491 = tpu.iota {dimensions = array<i32: 2>} : vector<32x64x768xi32>
    %jit3A_492 = arith.constant 0 : i32
    %broadcast_in_dim3A_493 = vector.broadcast %jit3A_492 : i32 to vector<32x64x768xi32>
    %select_n3A_494 = arith.select %eq3A_490, %iota3A_491, %broadcast_in_dim3A_493 : vector<32x64x768xi1>, vector<32x64x768xi32>
    %reduce_sum3A_495 = arith.constant dense<0> : vector<32x64xi32>
    %reduce_sum3A_496 = vector.multi_reduction <add>, %select_n3A_494, %reduce_sum3A_495 [2] : vector<32x64x768xi32> to vector<32x64xi32>
    %swap3A = arith.constant 0 : index
    %swap3A_497 = arith.constant 0 : index
    %swap3A_498 = vector.load %arg1[%swap3A, %swap3A_497] : memref<32x64xi32, #tpu.memory_space<vmem>>, vector<32x64xi32>
    tpu.vector_store %arg1[%swap3A, %swap3A_497], %reduce_sum3A_496 {strides = array<i32>} : memref<32x64xi32, #tpu.memory_space<vmem>>, vector<32x64xi32>,
    %broadcast_in_dim3A_499 = vector.shape_cast %get3A_1 : vector<32x768xf32> to vector<32x1x768xf32>
    %broadcast_in_dim3A_500 = vector.shape_cast %broadcast_in_dim3A_499 : vector<32x1x768xf32> to vector<32x1x768xf32>
    %broadcast_in_dim3A_501 = vector.broadcast %broadcast_in_dim3A_500 : vector<32x1x768xf32> to vector<32x64x768xf32>
    %jit3A_502 = arith.constant 0.000000e+00 : f32
    %broadcast_in_dim3A_503 = vector.broadcast %jit3A_502 : f32 to vector<32x64x768xf32>
    %select_n3A_504 = arith.select %eq3A_490, %broadcast_in_dim3A_501, %broadcast_in_dim3A_503 : vector<32x64x768xi1>, vector<32x64x768xf32>
    %reduce_sum3A_505 = arith.constant dense<0.000000e+00> : vector<32x64xf32>
    %reduce_sum3A_506 = vector.multi_reduction <add>, %select_n3A_504, %reduce_sum3A_505 [2] : vector<32x64x768xf32> to vector<32x64xf32>
    %swap3A_507 = arith.constant 0 : index
    %swap3A_508 = arith.constant 0 : index
    %swap3A_509 = vector.load %arg2[%swap3A_507, %swap3A_508] : memref<32x64xf32, #tpu.memory_space<vmem>>, vector<32x64xf32>
    tpu.vector_store %arg2[%swap3A_507, %swap3A_508], %reduce_sum3A_506 {strides = array<i32>} : memref<32x64xf32, #tpu.memory_space<vmem>>, vector<32x64xf32>,
    return
  }
}

</mosaic_0001>

<sc_bundles>
// kernel: kernel.4.cloned.1.call-start
scs
__scs_entry_jumppad:
0x0: {  	(pc) =	sbr.rel $0x88, $3  }
0x1: {  	(tag) =	ssettag $0x0;
	lr =	simm.s32 $0x1  }
0x2: {  	[smem:$0x3F9E] =	sst lr;
	_ =	strace $0xD0000000  }
0x3: {  	_ = 	snop  }
0x4: {  	_ = 	snop  }
0x5: {  	_ = 	snop  }
0x6: {  	_ = 	snop  }
0x7: {  	_ = 	snop  }
__scs_overlays_trampoline_lowered:
0x8: {  	[smem:$0x3FAD] =	sst s0  }
0x9: {  	[smem:$0x3FAE] =	sst s1  }
0xa: {  	[smem:$0x3FAF] =	sst s2  }
0xb: {  	[smem:$0x3FB0] =	sst s3  }
0xc: {  	[smem:$0x3FB1] =	sst s4  }
0xd: {  	[smem:$0x3FB2] =	sst s5  }
0xe: {  	[smem:$0x3FB3] =	sst s6  }
0xf: {  	[smem:$0x3FB4] =	sst s7  }
0x10: {  	[smem:$0x3FB5] =	sst s8  }
0x11: {  	[smem:$0x3FB6] =	sst s9;
	s0 =	simm.s32 @!p0 $0x0  }
0x12: {  	s1 =	sld [smem:$0x3F9C];
	s0 =	simm.s32 @p0 $0x1  }
0x13: {  	[smem:$0x3FB7] =	sst s0;
	s0 =	simm.s32 @!p1 $0x0  }
0x14: {  	s2 =	sld [smem:$0x3F9B];
	s0 =	simm.s32 @p1 $0x1  }
0x15: {  	[smem:$0x3FB8] =	sst s0;
	s0 =	simm.s32 @!p2 $0x0  }
0x16: {  	s3 =	sld [smem:$0x3FDB];
	s0 =	simm.s32 @p2 $0x1  }
0x17: {  	s4 =	simm.s32 $0x1BF5;
	[smem:$0x3FBA] =	sst s0  }
0x18: {  	s0 =	sld [smem:$0x3F9D];
	_ =	swait.ge [sflag:s4], $0x0  }
0x19: {  	s7 =	sld [smem:$0x3F9E]  }
0x1a: {  	s8 =	sadd.s32 $0xFFFFE003, lr  }
0x1b: {  	s9 =	sadd.s32 $0xFFFFFEF7, lr;
	s5 =	simm.s32 $0xFFFFFFFF;
	p2 =	slt.u32 s8, $0xFFFFF086  }
0x1c: {  	p1 =	slt.u32 s9, $0xF7A;
	s5 =	simm.s32 @!p2 $0x0  }
0x1d: {  	s5 =	simm.s32 @p1 $0x1;
	p0 =	seq.s32 s7, s2  }
0x1e: {  	s7 =	smul.u32 @!p0 $0xF7A, s2;
	p2 =	seq.s32 @!p0 s5, $0x0  }
0x1f: {  	s9 =	smul.u32 $0xF7A, s1;
	s8 =	simm.s32 @!p0 $0x1BF5;
	p2 =	por !p2, p0  }
0x20: {  	[sflag:s8] =	ssyncset.s32 @!p0 $0xFFFFF086;
	s6 =	sadd.s32 @!p0 s3, s7;
	s7 =	simm.s32 @!p0 $0x108  }
0x21: {  	s3 =	sadd.s32 s3, s9;
	s6 =	sadd.s32 @!p0 $0x88, s6;
	s7 =	simm.s32 @p2 $0x1082  }
0x22: {  	[simem:s7], [sflag:s8] =	dma.local @!p0 [hbm:s6], $0xF7A  }
0x23: {  	s9 =	sor.u32 $0xD0000000, s2;
	s6 =	simm.s32 $0x108;
	_ =	swait.ge @!p0 [sflag:s8], $0x0  }
0x24: {  	s3 =	sadd.s32 $0x88, s3;
	s6 =	simm.s32 @!p1 $0x1082;
	[sflag:s4] =	ssyncset.s32 $0xFFFFF086  }
0x25: {  	[simem:s6], [sflag:s4] =	dma.local [hbm:s3], $0xF7A  }
0x26: {  	[smem:$0x3F9E] =	sst s1;
	(tag) =	ssettag s2;
	_ =	strace s9  }
0x27: {  	s1 =	sld [smem:$0x3FAE]  }
0x28: {  	s2 =	sld [smem:$0x3FAF]  }
0x29: {  	s4 =	sld [smem:$0x3FB1]  }
0x2a: {  	p0 =	seq.s32 s5, $0x0;
	s5 =	sld [smem:$0x3FB2]  }
0x2b: {  	s6 =	sld [smem:$0x3FB3]  }
0x2c: {  	s7 =	sld [smem:$0x3FB4]  }
0x2d: {  	s3 =	simm.s32 $0x108;
	s8 =	sld [smem:$0x3FB5]  }
0x2e: {  	s3 =	simm.s32 @!p0 $0x1082;
	s9 =	sld [smem:$0x3FB6]  }
0x2f: {  	lr =	sadd.s32 s0, s3;
	s0 =	sld [smem:$0x3FAD]  }
0x30: {  	s3 =	sld [smem:$0x3FB0]  }
0x31: {  	[smem:$0x3FB9] =	sst s10  }
0x32: {  	s10 =	sld [smem:$0x3FB7];
	_ =	sdelay $0x3  }
0x33: {  	p0 =	seq.s32 s10, $0x1;
	s10 =	sld [smem:$0x3FB9];
	_ =	sdelay $0x3  }
0x34: {  	[smem:$0x3FB9] =	sst s10  }
0x35: {  	s10 =	sld [smem:$0x3FB8];
	_ =	sdelay $0x3  }
0x36: {  	p1 =	seq.s32 s10, $0x1;
	s10 =	sld [smem:$0x3FB9];
	_ =	sdelay $0x3  }
0x37: {  	[smem:$0x3FB9] =	sst s10  }
0x38: {  	s10 =	sld [smem:$0x3FBA]  }
0x39: {  	_ = 	snop;
	(pc) =	sbr.ind lr, $3  }
0x3a: {  	_ = 	snop  }
0x3b: {  	_ = 	snop  }
0x3c: {  	p2 =	seq.s32 s10, $0x1;
	s10 =	sld [smem:$0x3FB9]  }
0x3d: {  	_ =	shalt  }
0x3e: {  	_ =	shalt  }
0x3f: {  	_ =	shalt  }
0x40: {  	_ =	shalt  }
0x41: {  	_ =	shalt  }
0x42: {  	_ =	shalt  }
0x43: {  	_ =	shalt  }
0x44: {  	_ =	shalt  }
0x45: {  	_ =	shalt  }
0x46: {  	_ =	shalt  }
0x47: {  	_ =	shalt  }
0x48: {  	_ =	shalt  }
0x49: {  	_ =	shalt  }
0x4a: {  	_ =	shalt  }
0x4b: {  	_ =	shalt  }
0x4c: {  	_ =	shalt  }
0x4d: {  	_ =	shalt  }
0x4e: {  	_ =	shalt  }
0x4f: {  	_ =	shalt  }
0x50: {  	_ =	shalt  }
0x51: {  	_ =	shalt  }
0x52: {  	_ =	shalt  }
0x53: {  	_ =	shalt  }
0x54: {  	_ =	shalt  }
0x55: {  	_ =	shalt  }
0x56: {  	_ =	shalt  }
0x57: {  	_ =	shalt  }
0x58: {  	_ =	shalt  }
0x59: {  	_ =	shalt  }
0x5a: {  	_ =	shalt  }
0x5b: {  	_ =	shalt  }
0x5c: {  	_ =	shalt  }
0x5d: {  	_ =	shalt  }
0x5e: {  	_ =	shalt  }
0x5f: {  	_ =	shalt  }
0x60: {  	_ =	shalt  }
0x61: {  	_ =	shalt  }
0x62: {  	_ =	shalt  }
0x63: {  	_ =	shalt  }
0x64: {  	_ =	shalt  }
0x65: {  	_ =	shalt  }
0x66: {  	_ =	shalt  }
0x67: {  	_ =	shalt  }
0x68: {  	_ =	shalt  }
0x69: {  	_ =	shalt  }
0x6a: {  	_ =	shalt  }
0x6b: {  	_ =	shalt  }
0x6c: {  	_ =	shalt  }
0x6d: {  	_ =	shalt  }
0x6e: {  	_ =	shalt  }
0x6f: {  	_ =	shalt  }
0x70: {  	_ =	shalt  }
0x71: {  	_ =	shalt  }
0x72: {  	_ =	shalt  }
0x73: {  	_ =	shalt  }
0x74: {  	_ =	shalt  }
0x75: {  	_ =	shalt  }
0x76: {  	_ =	shalt  }
0x77: {  	_ =	shalt  }
0x78: {  	_ =	shalt  }
0x79: {  	_ =	shalt  }
0x7a: {  	_ =	shalt  }
0x7b: {  	_ =	shalt  }
0x7c: {  	_ =	shalt  }
0x7d: {  	_ =	shalt  }
0x7e: {  	_ =	shalt  }
0x7f: {  	_ =	shalt  }
0x80: {  	_ =	shalt  }
0x81: {  	_ =	shalt  }
0x82: {  	_ =	shalt  }
0x83: {  	_ =	shalt  }
0x84: {  	_ =	shalt  }
0x85: {  	_ =	shalt  }
0x86: {  	_ =	shalt  }
0x87: {  	_ =	shalt  }
.Lfunc_end0:
.L_simem_size_0:
called_computation_lowered:
.L_overlay_start_0:
0x88: {  	s2 =	sld [smem:$0x3FD9]  }
0x89: {  	s3 =	sld [smem:$0x3FFE];
	_ =	sdelay $0x1  }
0x8a: {  	s1 =	srdreg.scid  }
0x8b: {  	s0 =	sand.u32 $0x1, s1  }
0x8c: {  	s17 =	sshll.u32 s0, $0xA;
	s2 =	sadd.s32 s3, s2  }
0x8d: {  	s2 =	sadd.s32 s2, s17  }
0x8e: {  	[smem:$0x3FC5] =	sst s2  }
0x8f: {  	_ = 	snop  }
0x90: {  	s2 =	sld [smem:$0x3FC9]  }
0x91: {  	s18 =	sld [smem:$0x3FD0];
	(tm) =	ssettm $0x1  }
0x92: {  	s4 =	sld [smem:$0x3FFB];
	_ =	sdelay $0x3  }
0x93: {  	_ =	strace s4  }
0x94: {  	s4 =	sld [smem:$0x3FFC];
	_ =	sdelay $0x3  }
0x95: {  	_ =	strace s4  }
0x96: {  	s4 =	sld [smem:$0x3FFD];
	_ =	sdelay $0x3  }
0x97: {  	_ =	strace s4  }
0x98: {  	_ =	strace $0x8FFFFFFF  }
0x99: {  	s19 =	sld [smem:$0x3FDB];
	_ =	sdelay $0x1  }
0x9a: {  	s5 =	simm.s32 $_scs_section_size  }
0x9b: {  	s6 =	simm.s32 $_size__tile_overlayer_lowered;
	s7 =	simm.s32 $_tile_overlayer_lowered  }
0x9c: {  	s22 =	simm.s32 $0x1BFF;
	s21 =	sshll.u32 s7, $0x1;
	s4 =	sadd.s32 s5, s19  }
0x9d: {  	s8 =	simm.s32 $0x0;
	s20 =	sshll.u32 s6, $0x1;
	s6 =	sadd.s32 s21, s4  }
0x9e: {  	[timem:s8], [sflag:s22] =	dma.local [hbm:s6], s20  }
0x9f: {  	_ =	swait.ge [sflag:s22], s20  }
0xa0: {  	s5 =	ssub.s32 $0x0, s20;
	[sflag:s22] =	ssyncset.done $0x0  }
0xa1: {  	[sflag:s22] =	ssyncadd.s32 s5;
	_ =	sdelay $0x1  }
0xa2: {  	s23 =	simm.s32 $0x1B8B  }
0xa3: {  	_ =	swait.ge [sflag:s23], $0x1  }
0xa4: {  	[sflag:s23] =	ssyncset.done $0x0  }
0xa5: {  	s25 =	simm.s32 $0x1B8E;
	s24 =	sld [smem:$0x3FFE];
	[sflag:s23] =	ssyncadd.s32 $0xFFFFFFFF  }
0xa6: {  	s26 =	simm.s32 $execute0_lowered;
	[smem:$0x3FD2] =	sst s25  }
0xa7: {  	s6 =	sshll.u32 s26, $0x1;
	_ =	strace $0x80000046;
	[dreg:$0x1] =	wrdreg $0xFFFFFFFF  }
0xa8: {  	s28 =	simm.s32 $_size_execute0_lowered;
	s4 =	sadd.s32 s4, s6;
	[dreg:$0x0] =	wrdreg $0x0  }
0xa9: {  	s6 =	sshll.u32 s28, $0x1;
	[dreg:$0x2] =	wrdreg s4  }
0xaa: {  	[dreg:$0x3] =	wrdreg s6  }
0xab: {  	[dreg:$0x4] =	wrdreg $0xC0  }
0xac: {  	_ =	task [dreg:s8], $0x5FFFF  }
0xad: {  	[dreg:$0x1] =	wrdreg $0xFFFFFFFF  }
0xae: {  	[dreg:$0x0] =	wrdreg $0x60  }
0xaf: {  	[dreg:$0x2] =	wrdreg s2  }
0xb0: {  	[dreg:$0x3] =	wrdreg s18  }
0xb1: {  	[dreg:$0x4] =	wrdreg s24  }
0xb2: {  	[dreg:$0x5] =	wrdreg $0x9  }
0xb3: {  	_ =	task.clear_ibuf [dreg:s8], $0x6FFFF;
	_ =	strace $0x90000046  }
0xb4: {  	s29 =	simm.s32 $0x9;
	_ =	strace $0x80000048  }
0xb5: {  	_ =	swait.ge [sflag:s29], $0x1  }
0xb6: {  	[sflag:s29] =	ssyncadd.s32 $0xFFFFFFFF  }
0xb7: {  	_ =	strace $0x90000048  }
0xb8: {  	_ =	sfence  }
0xb9: {  	s30 =	sld [smem:$0x0];
	_ =	sdelay $0x2  }
0xba: {  	s31 =	sshll.u32 s1, $0xD;
	s1 =	sshrl.u32 s1, $0x2  }
0xbb: {  	s3 =	sand.u32 $0x4000, s31;
	s1 =	sadd.s32 s1, s30  }
0xbc: {  	s0 =	sor.u32 s3, s0;
	s1 =	sshll.u32 s1, $0x11  }
0xbd: {  	s0 =	sor.u32 s1, s0  }
0xbe: {  	s0 =	sadd.s32 $0x8F2B, s0  }
0xbf: {  	[sflag:s0] =	ssyncadd.remote.s32 $0x1  }
0xc0: {  	_ =	sfence.sel $0xFFFF  }
0xc1: {  	[dreg:$0x0] =	wrdreg $0xFFFFFFFF;
	(pc) =	sbr.abs _section_cstart, $3  }
0xc2: {  	[dreg:$0x1] =	wrdreg $0xFFFFFFFF  }
0xc3: {  	_ =	task.clear_ibuf [dreg:s8], $0x2FFFF;
	_ =	strace $0x9FFFFFFF  }
0xc4: {  	(tm) =	ssettm $0x7FFFFFFF  }
0xc5: {  	_ =	shalt  }
tec
execute0_lowered:
.L_overlay_start_1:
0x0: {  	(tag) =	ssettag $0x1  }
0x1: {  	s1 =	rddreg [dreg:$0x0]  }
0x2: {  	s0 =	rddreg [dreg:$0x1]  }
0x3: {  	s2 =	rddreg [dreg:$0x2]  }
0x4: {  	s3 =	simm.s32 $0x0;
	s4 =	srdreg.scid;
	s5 =	stileid.u32  }
0x5: {  	s12 =	simm.s32 $0x5;
	s14 =	simm.s32 $0x80;
	s15 =	simm.s32 $0xA880  }
0x6: {  	s16 =	simm.s32 $0x1;
	s17 =	simm.s32 $0x15080;
	s18 =	simm.s32 $0x2  }
0x7: {  	s19 =	simm.s32 $0x4;
	s20 =	simm.s32 $0x16C80;
	s21 =	simm.s32 $0x3  }
0x8: {  	s22 =	simm.s32 $0x0;
	s4 =	sand.u32 $0x1, s4;
	s5 =	sshll.u32 s5, $0x1  }
0x9: {  	[smem:$0x7FF] =	sst s3;
	s6 =	sor.u32 s4, s5;
	s7 =	ssub.s32 $0x2, s4  }
0xa: {  	_ =	strace $0x80000047;
	s8 =	sshll.u32 s6, $0x3;
	s9 =	sshrl.u32 s7, $0x1  }
0xb: {  	s4 =	smul.u32 $0x24C000, s6;
	s10 =	sadd.s32 s8, s2;
	s0 =	sadd.s32 s0, s8  }
0xc: {  	s28 =	ssub.s32 s7, s9;
	[dreg:$0x4] =	wrdreg s0;
	s29 =	sadd.s32 $0x800, s10  }
0xd: {  	s30 =	sshrl.u32 s4, $0x3;
	s31 =	smax.u32 s28, $0x1;
	[dreg:$0x5] =	wrdreg s29  }
0xe: {  	s5 =	sadd.s32 $0xA00, s2;
	s0 =	sadd.s32 s1, s30;
	[dreg:$0x7] =	wrdreg s31  }
0xf: {  	s9 =	smul.u32 $0x62000, s6;
	s10 =	sadd.s32 $0x15000, s4;
	[dreg:$0x6] =	wrdreg s0  }
.LBB2_1:
0x10: {  	s0 =	rddreg [dreg:$0x4]  }
0x11: {  	[tilespmem:s3], [sflag:$0x5] =	stream.linear.gather [hbm4b:s0+s3], $0x40, $0x38;
	[tilespmem:$0x18880] =	vst v63  }
0x12: {  	_ =	swait.ge [sflag:s12], $0x40  }
0x13: {  	[sflag:s12] =	ssyncset.done $0x0  }
0x14: {  	s2 =	simm.s32 $0x40;
	s30 =	rddreg [dreg:$0x5];
	[sflag:s12] =	ssyncadd.s32 $0xFFFFFFC0  }
0x15: {  	[tilespmem:s2], [sflag:$0x5] =	stream.linear.gather [hbm4b:s30+s3], $0x40, $0x38;
	[tilespmem:$0x18880] =	vst v63  }
0x16: {  	_ =	swait.ge [sflag:s12], $0x40  }
0x17: {  	[sflag:s12] =	ssyncset.done $0x0  }
0x18: {  	[sflag:s12] =	ssyncadd.s32 $0xFFFFFFC0  }
0x19: {  	v8 =	vld [tilespmem:$0x0]  }
0x1a: {  	v9 =	vld [tilespmem:$0x10]  }
0x1b: {  	v10 =	vld [tilespmem:$0x20]  }
0x1c: {  	v11 =	vld [tilespmem:$0x30];
	_ =	sdelay $0x2  }
0x1d: {  	v0 =	vshll.u32 v8, $0x3;
	v2 =	vand.u32 $0x7F, v8  }
0x1e: {  	v3 =	vshll.u32 v9, $0x3;
	v5 =	vand.u32 $0x7F, v9;
	v6 =	vshll.u32 v10, $0x3  }
0x1f: {  	v7 =	vshll.u32 v11, $0x3;
	v12 =	vand.u32 $0x7F, v10;
	v13 =	vand.u32 $0x7F, v11  }
0x20: {  	v8 =	vand.u32 $0x7, v8;
	v9 =	vand.u32 $0x7, v9;
	v1 =	vand.u32 $0xFFFFFC00, v0;
	v0 =	vld [tilespmem:$0x40]  }
0x21: {  	v10 =	vand.u32 $0x7, v10;
	v11 =	vand.u32 $0x7, v11;
	v4 =	vand.u32 $0xFFFFFC00, v3;
	v3 =	vld [tilespmem:$0x60]  }
0x22: {  	s23 =	simm.s32 $0x0;
	s31 =	rddreg [dreg:$0x6];
	v6 =	vand.u32 $0xFFFFFC00, v6;
	v7 =	vand.u32 $0xFFFFFC00, v7;
	v1 =	vor.u32 v2, v1;
	v2 =	vld [tilespmem:$0x50]  }
0x23: {  	v4 =	vor.u32 v5, v4;
	v5 =	vld [tilespmem:$0x70];
	[tilespmem:s14], [sflag:$0x1] =	stream.linear.gather [hbm4b:s31+s3], $0xA800, $0x38;
	v6 =	vor.u32 v12, v6;
	v7 =	vor.u32 v13, v7  }
.LBB2_2:
0x24: {  	s2 =	simm.s32 $0x0;
	s0 =	simm.s32 $0x80  }
0x25: {  	s7 =	simm.s32 $0x180;
	s8 =	simm.s32 $0x200;
	s25 =	simm.s32 $0x300;
	v12 =	vadd.s32 s2, v1;
	v13 =	vadd.s32 s0, v1  }
0x26: {  	s13 =	simm.s32 $0x100;
	s26 =	simm.s32 $0x280;
	v14 =	vadd.s32 s7, v1;
	v15 =	vadd.s32 s8, v1;
	v16 =	vadd.s32 s25, v1  }
0x27: {  	v17 =	vadd.s32 s13, v1;
	v18 =	vadd.s32 s26, v1;
	v19 =	vadd.s32 s25, v7  }
0x28: {  	v20 =	vadd.s32 s13, v4;
	v21 =	vadd.s32 s7, v6;
	v22 =	vadd.s32 s26, v4  }
0x29: {  	v23 =	vadd.s32 s13, v6;
	v24 =	vadd.s32 s13, v7;
	v27 =	vadd.s32 s25, v4  }
0x2a: {  	v25 =	vadd.s32 s2, v6;
	v29 =	vadd.s32 s26, v6;
	v30 =	vadd.s32 s2, v4  }
0x2b: {  	s11 =	simm.s32 $0x1900;
	s28 =	simm.s32 $0x1A80;
	v26 =	vadd.s32 s7, v4;
	v28 =	vadd.s32 s8, v4;
	v32 =	vadd.s32 s26, v7  }
0x2c: {  	v33 =	vadd.s32 s8, v7;
	v47 =	vadd.s32 s11, v1;
	v49 =	vadd.s32 s28, v1  }
0x2d: {  	v52 =	vadd.s32 s11, v6;
	v53 =	vadd.s32 s11, v7;
	v55 =	vadd.s32 s28, v6  }
0x2e: {  	v12 =	vand.u32 $0xFFFFFC78, v12;
	v14 =	vand.u32 $0xFFFFFDF8, v14;
	v15 =	vand.u32 $0xFFFFFE78, v15  }
0x2f: {  	s24 =	sshllo.u32 s23, $0x1;
	v16 =	vand.u32 $0xFFFFFF78, v16;
	v20 =	vand.u32 $0xFFFFFD78, v20;
	v23 =	vand.u32 $0xFFFFFD78, v23  }
0x30: {  	s6 =	smul.u32 $0xA800, s24;
	v31 =	vand.u32 $0xFFFFFC78, v25;
	v25 =	vadd.s32 s8, v6;
	v22 =	vand.u32 $0xFFFFFEF8, v22  }
0x31: {  	v26 =	vand.u32 $0xFFFFFDF8, v26;
	v24 =	vand.u32 $0xFFFFFD78, v24;
	v33 =	vand.u32 $0xFFFFFE78, v33  }
0x32: {  	v34 =	vand.u32 $0xFFFFFE78, v28;
	v21 =	vand.u32 $0xFFFFFDF8, v21;
	v28 =	vadd.s32 s7, v7;
	s6 =	sadd.s32 s4, s6  }
0x33: {  	v17 =	vand.u32 $0xFFFFFD78, v17;
	v13 =	vand.u32 $0xFFFFFCF8, v13;
	v19 =	vand.u32 $0xFFFFFF78, v19;
	s6 =	sshrl.u32 s6, $0x3  }
0x34: {  	s26 =	simm.s32 $0x1800;
	v29 =	vand.u32 $0xFFFFFEF8, v29;
	v32 =	vand.u32 $0xFFFFFEF8, v32;
	v52 =	vand.u32 $0xFFFFFD78, v52;
	s6 =	sadd.s32 s1, s6  }
0x35: {  	v56 =	vadd.s32 s26, v6;
	v57 =	vadd.s32 s26, v4;
	v53 =	vand.u32 $0xFFFFFD78, v53;
	[tilespmem:s15], [sflag:$0x2] =	stream.linear.gather [hbm4b:s6+s3], $0xA800, $0x38;
	[tilespmem:$0x18880] =	vst v63  }
0x36: {  	v12 =	vor.u32 v8, v12;
	v16 =	vor.u32 v8, v16;
	v25 =	vand.u32 $0xFFFFFE78, v25;
	_ =	swait.ge [sflag:s16], $0xA800  }
0x37: {  	p0 =	seq.s32 s23, $0x0;
	v20 =	vor.u32 v9, v20;
	v35 =	vor.u32 v9, v26;
	v15 =	vor.u32 v8, v15;
	[sflag:s16] =	ssyncset.done $0x0  }
0x38: {  	v26 =	vadd.s32 s25, v6;
	v36 =	vand.u32 $0xFFFFFDF8, v28;
	v14 =	vor.u32 v8, v14;
	s6 =	simm.s32 @!p0 $0x3;
	[sflag:s16] =	ssyncadd.s32 $0xFFFF5800  }
0x39: {  	v28 =	vor.u32 v10, v23;
	v17 =	vor.u32 v8, v17;
	v23 =	vor.u32 v10, v31;
	_ =	swait.ge @!p0 [sflag:s6], $0x1C00  }
0x3a: {  	v38 =	vor.u32 v8, v13;
	v31 =	vor.u32 v10, v21;
	v13 =	vand.u32 $0xFFFFFC78, v30;
	[sflag:s6] =	ssyncset.done @!p0 $0x0  }
0x3b: {  	s7 =	simm.s32 $0x1A00;
	v22 =	vor.u32 v9, v22;
	v21 =	vadd.s32 s0, v6;
	v41 =	vor.u32 v9, v34;
	[sflag:s6] =	ssyncadd.s32 @!p0 $0xFFFFE400  }
0x3c: {  	s8 =	simm.s32 $0x1B00;
	v63 =	vor.u32 v11, v24;
	v33 =	vor.u32 v11, v33;
	v44 =	vadd.s32 s7, v1;
	v16 =	vld.idx.msk [tilespmem:v16+s14+$0x0], $0xffff  }
0x3d: {  	v45 =	vadd.s32 s8, v1;
	v50 =	vadd.s32 s8, v7;
	v54 =	vadd.s32 s8, v4  }
0x3e: {  	v56 =	vand.u32 $0xFFFFFC78, v56;
	v59 =	vadd.s32 s7, v6;
	v60 =	vadd.s32 s7, v4  }
0x3f: {  	v25 =	vor.u32 v10, v25;
	v26 =	vand.u32 $0xFFFFFF78, v26;
	v30 =	vor.u32 v9, v13;
	v12 =	vld.idx.msk [tilespmem:v12+s14+$0x0], $0xffff  }
0x40: {  	v13 =	vand.u32 $0xFFFFFF78, v27;
	v21 =	vand.u32 $0xFFFFFCF8, v21;
	v44 =	vand.u32 $0xFFFFFE78, v44  }
0x41: {  	v59 =	vand.u32 $0xFFFFFE78, v59;
	v15 =	vld.idx.msk [tilespmem:v15+s14+$0x0], $0xffff;
	v37 =	vmul.f32 v16, v0;
	v16 =	vand.u32 $0xFFFFFEF8, v18  }
0x42: {  	v27 =	vor.u32 v9, v13;
	v13 =	vadd.s32 s2, v7;
	s2 =	simm.s32 $0x1880;
	v16 =	vor.u32 v8, v16  }
0x43: {  	v54 =	vand.u32 $0xFFFFFF78, v54;
	v26 =	vor.u32 v10, v26;
	v42 =	vadd.s32 s2, v1;
	v39 =	vld.idx.msk [tilespmem:v14+s14+$0x0], $0xffff  }
0x44: {  	v42 =	vand.u32 $0xFFFFFCF8, v42;
	s6 =	simm.s32 $0x1980;
	v17 =	vld.idx.msk [tilespmem:v17+s14+$0x0], $0xffff;
	v14 =	vand.u32 $0xFFFFFC78, v13;
	v12 =	vmul.f32 v12, v0  }
0x45: {  	s25 =	simm.s32 $0x15280;
	v51 =	vadd.s32 s6, v6;
	v58 =	vadd.s32 s6, v4;
	v18 =	vadd.s32 s0, v4  }
0x46: {  	v40 =	vmul.f32 v15, v0;
	v15 =	vand.u32 $0xFFFFFCF8, v18;
	[tilespmem:s25+$0xFFFFFE00] =	vst v12;
	v12 =	vor.u32 v11, v14  }
0x47: {  	v16 =	vld.idx.msk [tilespmem:v16+s14+$0x0], $0xffff;
	[tilespmem:$0x1FFE0] =	vst v12;
	v12 =	vor.u32 v11, v36;
	v36 =	vor.u32 v9, v15;
	v15 =	vadd.s32 s0, v7  }
0x48: {  	v58 =	vand.u32 $0xFFFFFDF8, v58;
	s0 =	simm.s32 $0x380;
	[tilespmem:$0x1FFF0] =	vst v12;
	v34 =	vand.u32 $0xFFFFFCF8, v15;
	v15 =	vor.u32 v11, v19  }
0x49: {  	v19 =	vadd.s32 s0, v1;
	v18 =	vld.idx.msk [tilespmem:v30+s14+$0x0], $0xffff;
	v30 =	vmul.f32 v39, v0;
	v39 =	vmul.f32 v17, v0  }
0x4a: {  	v17 =	vadd.s32 s0, v4;
	v19 =	vand.u32 $0xFFFFFFF8, v19;
	[tilespmem:s25+$0x100] =	vst v37;
	v37 =	vadd.s32 s28, v7  }
0x4b: {  	v38 =	vld.idx.msk [tilespmem:v38+s14+$0x0], $0xffff;
	v17 =	vand.u32 $0xFFFFFFF8, v17;
	v62 =	vor.u32 v8, v19;
	v19 =	vor.u32 v9, v58  }
0x4c: {  	[tilespmem:s25+$0x0] =	vst v40;
	v58 =	vand.u32 $0xFFFFFE78, v60;
	v37 =	vand.u32 $0xFFFFFEF8, v37;
	v46 =	vor.u32 v9, v17  }
0x4d: {  	v41 =	vld.idx.msk [tilespmem:v41+s14+$0x0], $0xffff;
	v17 =	vand.u32 $0xFFFFFF78, v45;
	v45 =	vadd.s32 s28, v4;
	v24 =	vmul.f32 v16, v0  }
0x4e: {  	v16 =	vor.u32 v10, v21;
	v21 =	vadd.s32 s26, v1;
	v17 =	vor.u32 v8, v17  }
0x4f: {  	[tilespmem:s25+$0xFFFFFF80] =	vst v30;
	v45 =	vand.u32 $0xFFFFFEF8, v45;
	v21 =	vand.u32 $0xFFFFFC78, v21;
	v43 =	vmul.f32 v18, v2  }
0x50: {  	v35 =	vld.idx.msk [tilespmem:v35+s14+$0x0], $0xffff;
	v18 =	vadd.s32 s6, v1;
	v21 =	vor.u32 v8, v21;
	v38 =	vmul.f32 v38, v0  }
0x51: {  	[tilespmem:s25+$0xFFFFFF00] =	vst v39;
	v48 =	vand.u32 $0xFFFFFDF8, v18;
	v18 =	vadd.s32 s11, v4;
	v39 =	vld.idx.msk [tilespmem:v62+s14+$0x0], $0xffff;
	v62 =	vand.u32 $0xFFFFFEF8, v49  }
0x52: {  	v49 =	vld.idx.msk [tilespmem:v20+s14+$0x0], $0xffff;
	v20 =	vor.u32 v10, v52;
	v41 =	vmul.f32 v41, v2;
	v18 =	vand.u32 $0xFFFFFD78, v18  }
0x53: {  	[tilespmem:s25+$0xFFFFFE10] =	vst v43;
	v43 =	vor.u32 v8, v44;
	v44 =	vand.u32 $0xFFFFFDF8, v51;
	v48 =	vor.u32 v8, v48;
	v61 =	vld.idx.msk [tilespmem:v17+s14+$0x0], $0xffff  }
0x54: {  	s28 =	simm.s32 $0x1B80;
	v51 =	vadd.s32 s2, v4;
	[tilespmem:s25+$0xFFFFFE80] =	vst v38;
	v38 =	vor.u32 v11, v34;
	v17 =	vor.u32 v10, v59;
	v59 =	vld.idx.msk [tilespmem:v27+s14+$0x0], $0xffff  }
0x55: {  	[tilespmem:s25+$0x80] =	vst v24;
	v34 =	vadd.s32 s28, v4;
	v18 =	vor.u32 v9, v18;
	v27 =	vadd.s32 s7, v7;
	v60 =	vld.idx.msk [tilespmem:v23+s14+$0x0], $0xffff  }
0x56: {  	v23 =	vadd.s32 s6, v7;
	v24 =	vor.u32 v10, v44;
	v35 =	vmul.f32 v35, v2;
	v44 =	vld.idx.msk [tilespmem:v22+s14+$0x0], $0xffff  }
0x57: {  	v22 =	vor.u32 v9, v45;
	v40 =	vand.u32 $0xFFFFFE78, v27;
	v27 =	vld.idx.msk [tilespmem:v21+s14+$0x0], $0xffff;
	v21 =	vadd.s32 s8, v6  }
0x58: {  	v40 =	vor.u32 v11, v40;
	v21 =	vand.u32 $0xFFFFFF78, v21;
	v39 =	vmul.f32 v39, v0  }
0x59: {  	v49 =	vmul.f32 v49, v2;
	v21 =	vor.u32 v10, v21;
	v30 =	vmul.f32 v61, v0  }
0x5a: {  	[tilespmem:s25+$0x10] =	vst v41;
	v43 =	vld.idx.msk [tilespmem:v43+s14+$0x0], $0xffff;
	v61 =	vand.u32 $0xFFFFFDF8, v23;
	v23 =	vand.u32 $0xFFFFFD78, v47;
	v45 =	vmul.f32 v59, v2  }
0x5b: {  	v48 =	vld.idx.msk [tilespmem:v48+s14+$0x0], $0xffff;
	v47 =	vor.u32 v8, v62;
	v59 =	vadd.s32 s2, v6;
	[tilespmem:s25+$0x180] =	vst v39;
	v44 =	vmul.f32 v44, v2  }
0x5c: {  	v62 =	vor.u32 v8, v23;
	v23 =	vor.u32 v8, v42;
	v42 =	vand.u32 $0xFFFFFF78, v50;
	v39 =	vld.idx.msk [tilespmem:v46+s14+$0x0], $0xffff;
	[tilespmem:s25+$0x110] =	vst v45  }
0x5d: {  	s29 =	simm.s32 $0x15680;
	[tilespmem:s25+$0xFFFFFF90] =	vst v35;
	v50 =	vand.u32 $0xFFFFFC78, v57;
	v46 =	vor.u32 v10, v29;
	v52 =	vmul.f32 v27, v0;
	v57 =	vld.idx.msk [tilespmem:v26+s14+$0x0], $0xffff  }
0x5e: {  	v27 =	vor.u32 v10, v56;
	[tilespmem:s29+$0x100] =	vst v30;
	v30 =	vadd.s32 s26, v7;
	v26 =	vand.u32 $0xFFFFFEF8, v55;
	v55 =	vld.idx.msk [tilespmem:v25+s14+$0x0], $0xffff  }
0x5f: {  	[tilespmem:s25+$0xFFFFFF10] =	vst v49;
	v56 =	vand.u32 $0xFFFFFCF8, v59;
	v29 =	vand.u32 $0xFFFFFC78, v30;
	v30 =	vor.u32 v11, v53;
	v53 =	vld.idx.msk [tilespmem:v31+s14+$0x0], $0xffff  }
0x60: {  	v41 =	vor.u32 v9, v50;
	v59 =	vand.u32 $0xFFFFFCF8, v51;
	[tilespmem:s25+$0x90] =	vst v44;
	v42 =	vor.u32 v11, v42;
	v45 =	vld.idx.msk [tilespmem:v47+s14+$0x0], $0xffff  }
0x61: {  	v44 =	vmul.f32 v60, v3;
	v25 =	vadd.s32 s0, v6;
	[tilespmem:s29+$0xFFFFFE00] =	vst v52;
	v52 =	vld.idx.msk [tilespmem:v28+s14+$0x0], $0xffff;
	v47 =	vor.u32 v9, v54  }
0x62: {  	v43 =	vmul.f32 v43, v0;
	v35 =	vmul.f32 v48, v0;
	v48 =	vld.idx.msk [tilespmem:v36+s14+$0x0], $0xffff;
	v54 =	vor.u32 v9, v58  }
0x63: {  	v31 =	vor.u32 v11, v61;
	v61 =	vadd.s32 s2, v7;
	v29 =	vor.u32 v11, v29;
	v58 =	vld.idx.msk [tilespmem:v62+s14+$0x0], $0xffff  }
0x64: {  	v25 =	vand.u32 $0xFFFFFFF8, v25;
	[tilespmem:s29+$0x0] =	vst v43;
	v36 =	vmul.f32 v39, v2;
	v49 =	vld.idx.msk [tilespmem:v46+s14+$0x0], $0xffff;
	v55 =	vmul.f32 v55, v3  }
0x65: {  	v39 =	vor.u32 v10, v56;
	v50 =	vld.idx.msk [tilespmem:v41+s14+$0x0], $0xffff;
	v51 =	vmul.f32 v57, v3;
	v62 =	vmul.f32 v45, v0  }
0x66: {  	v41 =	vand.u32 $0xFFFFFCF8, v61;
	v53 =	vmul.f32 v53, v3;
	v46 =	vmul.f32 v52, v3;
	v28 =	vld.idx.msk [tilespmem:v47+s14+$0x0], $0xffff;
	[tilespmem:s25+$0x20] =	vst v55  }
0x67: {  	v47 =	vor.u32 v10, v25;
	v45 =	vor.u32 v11, v32;
	v32 =	vld.idx.msk [tilespmem:v54+s14+$0x0], $0xffff;
	[tilespmem:s29+$0x80] =	vst v62;
	v62 =	vadd.s32 s0, v7  }
0x68: {  	s30 =	simm.s32 $0x8;
	s31 =	simm.s32 $0x3380;
	s26 =	simm.s32 $0x15680;
	v25 =	vor.u32 v9, v59;
	[tilespmem:s25+$0xFFFFFFA0] =	vst v53;
	v43 =	vmul.f32 v58, v0;
	v52 =	vld.idx.msk [tilespmem:v33+s14+$0x0], $0xffff;
	v33 =	vand.u32 $0xFFFFFFF8, v62  }
.LBB2_3:
0x69: {  	s2 =	sadd.s32 $0xFFFFFC80, s31;
	v53 =	vadd.s32 s28, v1;
	v54 =	vand.u32 $0xFFFFFFF8, v34  }
0x6a: {  	s0 =	sadd.s32 $0xFFFFFD00, s31;
	v55 =	vor.u32 v11, v33;
	s13 =	sadd.s32 $0xFFFFFE00, s31;
	s7 =	sadd.s32 $0xFFFFFE80, s31;
	v26 =	vor.u32 v10, v26;
	v61 =	vadd.s32 s2, v1  }
0x6b: {  	v33 =	vmovc v40;
	s8 =	sadd.s32 $0xFFFFFF00, s31;
	s6 =	sadd.s32 $0xFFFFFF80, s31;
	v12 =	vld [tilespmem:$0x1FFF0];
	v40 =	vadd.s32 s0, v1;
	v62 =	vadd.s32 s13, v1;
	v60 =	vadd.s32 s7, v1  }
0x6c: {  	v34 =	vmovc v37;
	[tilespmem:s25+$0x120] =	vst v51;
	v57 =	vadd.s32 s6, v1;
	v37 =	vor.u32 v9, v54;
	v51 =	vadd.s32 s8, v1  }
0x6d: {  	v13 =	vmovc v29;
	v54 =	vadd.s32 s6, v7;
	v59 =	vadd.s32 s13, v6;
	v29 =	vadd.s32 s7, v4  }
0x6e: {  	[tilespmem:s25+$0x190] =	vst v36;
	v36 =	vmovc v41;
	v61 =	vand.u32 $0xFFFFFC78, v61;
	v41 =	vand.u32 $0xFFFFFDF8, v62;
	v50 =	vmul.f32 v50, v2  }
0x6f: {  	[tilespmem:s25+$0xFFFFFF20] =	vst v46;
	v57 =	vand.u32 $0xFFFFFF78, v57;
	v29 =	vand.u32 $0xFFFFFE78, v29;
	v48 =	vmul.f32 v48, v2  }
0x70: {  	v56 =	vld.idx.msk [tilespmem:v15+s14+$0x0], $0xffff;
	v15 =	vmovc v42;
	v59 =	vand.u32 $0xFFFFFDF8, v59;
	v51 =	vand.u32 $0xFFFFFEF8, v51;
	v62 =	vmul.f32 v49, v3;
	[tilespmem:s29+$0xFFFFFE10] =	vst v50  }
0x71: {  	v47 =	vld.idx.msk [tilespmem:v47+s14+$0x0], $0xffff;
	v40 =	vand.u32 $0xFFFFFCF8, v40;
	v42 =	vor.u32 v8, v61;
	v52 =	vmul.f32 v52, v5;
	[tilespmem:s25+$0xFFFFFE90] =	vst v48  }
0x72: {  	s11 =	sadd.s32 $0xFFFFFD80, s31;
	v61 =	vadd.s32 s6, v4;
	v32 =	vmul.f32 v32, v2;
	v49 =	vand.u32 $0xFFFFFE78, v60;
	[tilespmem:s25+$0xA0] =	vst v62;
	v62 =	vld.idx.msk [tilespmem:v63+s14+$0x0], $0xffff  }
0x73: {  	v60 =	vadd.s32 s11, v7;
	v28 =	vmul.f32 v28, v2;
	[tilespmem:s25+$0x30] =	vst v52;
	v52 =	vand.u32 $0xFFFFFFF8, v53;
	v53 =	vld.idx.msk [tilespmem:v12+s14+$0x0], $0xffff;
	v12 =	vmovc v31  }
0x74: {  	v49 =	vor.u32 v8, v49;
	v50 =	vadd.s32 s11, v1;
	v48 =	vor.u32 v8, v57;
	[tilespmem:$0x1FFF0] =	vst v12;
	v12 =	vld [tilespmem:$0x1FFE0]  }
0x75: {  	v57 =	vadd.s32 s8, v4;
	v63 =	vadd.s32 s2, v6;
	v56 =	vmul.f32 v56, v5;
	v58 =	vld.idx.msk [tilespmem:v16+s14+$0x0], $0xffff  }
0x76: {  	v16 =	vmovc v39;
	v39 =	vld.idx.msk [tilespmem:v27+s14+$0x0], $0xffff;
	v27 =	vadd.s32 s11, v4;
	v46 =	vmul.f32 v47, v3;
	v47 =	vadd.s32 s11, v6  }
0x77: {  	[tilespmem:s29+$0xFFFFFF00] =	vst v43;
	v57 =	vand.u32 $0xFFFFFEF8, v57;
	v43 =	vor.u32 v8, v52;
	v52 =	vand.u32 $0xFFFFFD78, v60  }
0x78: {  	v14 =	vmovc v30;
	v45 =	vld.idx.msk [tilespmem:v45+s14+$0x0], $0xffff;
	[tilespmem:s25+$0xFFFFFE20] =	vst v44;
	v50 =	vand.u32 $0xFFFFFD78, v50;
	v27 =	vand.u32 $0xFFFFFD78, v27;
	v30 =	vand.u32 $0xFFFFFD78, v47  }
0x79: {  	v47 =	vadd.s32 s8, v6;
	v31 =	vadd.s32 s2, v4;
	v42 =	vld.idx.msk [tilespmem:v42+s14+$0x0], $0xffff;
	[tilespmem:s25+$0x1A0] =	vst v46;
	v46 =	vand.u32 $0xFFFFFC78, v63  }
0x7a: {  	v63 =	vadd.s32 s7, v6;
	[tilespmem:$0x1FFE0] =	vst v13;
	v27 =	vor.u32 v9, v27;
	v13 =	vadd.s32 s7, v7;
	v55 =	vld.idx.msk [tilespmem:v55+s14+$0x0], $0xffff  }
0x7b: {  	v63 =	vand.u32 $0xFFFFFE78, v63;
	v13 =	vand.u32 $0xFFFFFE78, v13;
	v48 =	vld.idx.msk [tilespmem:v48+s14+$0x0], $0xffff;
	v44 =	vmul.f32 v58, v3  }
0x7c: {  	[tilespmem:s26+$0xFFFFFF80] =	vst v35;
	v60 =	vmul.f32 v62, v5;
	v62 =	vadd.s32 s0, v4;
	v58 =	vadd.s32 s13, v4;
	v12 =	vld.idx.msk [tilespmem:v12+s14+$0x0], $0xffff  }
0x7d: {  	v49 =	vld.idx.msk [tilespmem:v49+s14+$0x0], $0xffff;
	v45 =	vmul.f32 v45, v5;
	v58 =	vand.u32 $0xFFFFFDF8, v58;
	v35 =	vmul.f32 v53, v5;
	[tilespmem:s25+$0xFFFFFEA0] =	vst v44  }
0x7e: {  	v53 =	vadd.s32 s6, v6;
	[tilespmem:s25+$0xFFFFFF30] =	vst v60;
	v60 =	vadd.s32 s13, v7;
	v44 =	vor.u32 v10, v63;
	v38 =	vld.idx.msk [tilespmem:v38+s14+$0x0], $0xffff  }
0x7f: {  	v43 =	vld.idx.msk [tilespmem:v43+s14+$0x0], $0xffff;
	v63 =	vadd.s32 s8, v7;
	v58 =	vor.u32 v9, v58;
	[tilespmem:s25+$0xFFFFFFB0] =	vst v35;
	v55 =	vmul.f32 v55, v5  }
0x80: {  	[tilespmem:s25+$0x130] =	vst v56;
	v53 =	vand.u32 $0xFFFFFF78, v53;
	v60 =	vand.u32 $0xFFFFFDF8, v60;
	v35 =	vmul.f32 v48, v0;
	v48 =	vld.idx.msk [tilespmem:v19+s14+$0x0], $0xffff  }
0x81: {  	s29 =	sadd.s32 $0x400, s29;
	[tilespmem:s25+$0x1B0] =	vst v55;
	v55 =	vor.u32 v10, v30;
	v30 =	vor.u32 v8, v41;
	v12 =	vmul.f32 v12, v5  }
0x82: {  	v56 =	vld.idx.msk [tilespmem:v18+s14+$0x0], $0xffff;
	v18 =	vmov v27;
	v27 =	vor.u32 v10, v46;
	v41 =	vor.u32 v8, v51;
	[tilespmem:s29+$0x100] =	vst v35  }
0x83: {  	v46 =	vand.u32 $0xFFFFFF78, v54;
	v53 =	vor.u32 v10, v53;
	v38 =	vmul.f32 v38, v5;
	[tilespmem:s25+$0xFFFFFE30] =	vst v12;
	v12 =	vld.idx.msk [tilespmem:v23+s14+$0x0], $0xffff  }
0x84: {  	v19 =	vmov v58;
	v58 =	vmul.f32 v42, v0;
	v23 =	vor.u32 v8, v40;
	v40 =	vld.idx.msk [tilespmem:v22+s14+$0x0], $0xffff;
	[tilespmem:s25+$0xB0] =	vst v45  }
0x85: {  	v42 =	vor.u32 v8, v50;
	v43 =	vmul.f32 v43, v0;
	v35 =	vmul.f32 v48, v2;
	[tilespmem:s25+$0xFFFFFEB0] =	vst v38  }
0x86: {  	v48 =	vld.idx.msk [tilespmem:v30+s14+$0x0], $0xffff;
	v30 =	vand.u32 $0xFFFFFF78, v61;
	v22 =	vor.u32 v9, v57;
	s25 =	smov.u32 s26;
	v57 =	vand.u32 $0xFFFFFEF8, v47;
	[tilespmem:s29+$0xFFFFFE00] =	vst v58  }
0x87: {  	v45 =	vmul.f32 v49, v0;
	v58 =	vor.u32 v10, v59;
	v59 =	vadd.s32 s0, v6;
	v38 =	vld.idx.msk [tilespmem:v41+s14+$0x0], $0xffff;
	[tilespmem:s25+$0x110] =	vst v28  }
0x88: {  	v41 =	vor.u32 v9, v30;
	v28 =	vand.u32 $0xFFFFFC78, v31;
	[tilespmem:s25+$0x10] =	vst v32;
	v30 =	vor.u32 v11, v52;
	v32 =	vld.idx.msk [tilespmem:v21+s14+$0x0], $0xffff  }
0x89: {  	[tilespmem:s25+$0x180] =	vst v43;
	v31 =	vor.u32 v11, v60;
	v54 =	vand.u32 $0xFFFFFCF8, v59;
	v21 =	vmul.f32 v56, v2;
	v51 =	vld.idx.msk [tilespmem:v17+s14+$0x0], $0xffff  }
0x8a: {  	[tilespmem:s25+$0xFFFFFF90] =	vst v35;
	v59 =	vor.u32 v9, v29;
	v49 =	vor.u32 v9, v28;
	v17 =	vadd.s32 s28, v6;
	v43 =	vld.idx.msk [tilespmem:v37+s14+$0x0], $0xffff  }
0x8b: {  	v28 =	vadd.s32 s2, v7;
	v56 =	vld.idx.msk [tilespmem:v42+s14+$0x0], $0xffff;
	v37 =	vand.u32 $0xFFFFFEF8, v63;
	v63 =	vmovc v14;
	[tilespmem:s25+$0xFFFFFF10] =	vst v21;
	v12 =	vmul.f32 v12, v0  }
0x8c: {  	v14 =	vand.u32 $0xFFFFFCF8, v62;
	[tilespmem:s29+$0x0] =	vst v45;
	v45 =	vor.u32 v11, v34;
	v42 =	vor.u32 v11, v46;
	v61 =	vld.idx.msk [tilespmem:v20+s14+$0x0], $0xffff  }
0x8d: {  	v28 =	vand.u32 $0xFFFFFC78, v28;
	v35 =	vmul.f32 v48, v0;
	v21 =	vmul.f32 v40, v2;
	[tilespmem:s25+$0xFFFFFE80] =	vst v12;
	v12 =	vld.idx.msk [tilespmem:v24+s14+$0x0], $0xffff  }
0x8e: {  	s30 =	sadd.s32 $0x8, s30;
	v29 =	vor.u32 v11, v28;
	v40 =	vor.u32 v11, v13;
	v13 =	vmul.f32 v38, v0;
	v28 =	vld.idx.msk [tilespmem:v41+s14+$0x0], $0xffff  }
0x8f: {  	p1 =	slt.u32 s30, $0x30;
	v38 =	vor.u32 v11, v36;
	v24 =	vand.u32 $0xFFFFFFF8, v17;
	v17 =	vmovc v44;
	[tilespmem:s25+$0x90] =	vst v21;
	v36 =	vmul.f32 v43, v2  }
.Ltmp0:
0x90: {  	v50 =	vld.idx.msk [tilespmem:v49+s14+$0x0], $0xffff;
	v44 =	vmul.f32 v39, v3;
	v43 =	vmul.f32 v56, v0;
	v39 =	vor.u32 v10, v54;
	(pc) =	sbr.rel @p1 .LBB2_3-.Ltmp0, $4  }
0x91: {  	v47 =	vor.u32 v10, v24;
	v24 =	vadd.s32 s0, v7;
	[tilespmem:s29+$0x80] =	vst v13;
	v48 =	vld.idx.msk [tilespmem:v25+s14+$0x0], $0xffff;
	v13 =	vmul.f32 v51, v3  }
0x92: {  	v25 =	vor.u32 v9, v14;
	v51 =	vmul.f32 v32, v3;
	v32 =	vld.idx.msk [tilespmem:v59+s14+$0x0], $0xffff;
	v12 =	vmul.f32 v12, v3  }
0x93: {  	v20 =	vmovc v55;
	v21 =	vmovc v53;
	v41 =	vand.u32 $0xFFFFFCF8, v24;
	v49 =	vld.idx.msk [tilespmem:v26+s14+$0x0], $0xffff;
	v26 =	vmov v57;
	[tilespmem:s25+$0x20] =	vst v13;
	v13 =	vadd.s32 s28, v7;
	s28 =	smov.u32 s31  }
0x94: {  	s26 =	smov.u32 s29;
	v46 =	vmul.f32 v61, v3;
	s31 =	sadd.s32 $0x1800, s31;
	v24 =	vmovc v58;
	v34 =	vadd.s32 s28, v4;
	v52 =	vld.idx.msk [tilespmem:v33+s14+$0x0], $0xffff;
	v33 =	vand.u32 $0xFFFFFFF8, v13;
	[tilespmem:s25+$0xFFFFFFA0] =	vst v12  }
0x95: {  	_ =	sdelay $0x1  }
0x96: {  	v12 =	vmul.f32 v48, v2  }
0x97: {  	[tilespmem:s25+$0x190] =	vst v36  }
0x98: {  	v13 =	vld.idx.msk [tilespmem:v47+s14+$0x0], $0xffff;
	[tilespmem:s25+$0xFFFFFE90] =	vst v12  }
0x99: {  	v59 =	vmul.f32 v50, v2;
	[tilespmem:s25+$0x120] =	vst v51;
	v16 =	vld.idx.msk [tilespmem:v16+s14+$0x0], $0xffff  }
0x9a: {  	[tilespmem:s25+$0xFFFFFF20] =	vst v46;
	v61 =	vmul.f32 v49, v3  }
0x9b: {  	v60 =	vadd.s32 s28, v1;
	v23 =	vld.idx.msk [tilespmem:v23+s14+$0x0], $0xffff;
	[tilespmem:s29+$0xFFFFFE10] =	vst v59;
	v62 =	vmul.f32 v52, v5  }
0x9c: {  	v48 =	vld.idx.msk [tilespmem:v63+s14+$0x0], $0xffff;
	v12 =	vand.u32 $0xFFFFFFF8, v60;
	[tilespmem:s25+$0xA0] =	vst v61  }
0x9d: {  	v15 =	vld.idx.msk [tilespmem:v15+s14+$0x0], $0xffff;
	v12 =	vor.u32 v8, v12;
	v13 =	vmul.f32 v13, v3;
	[tilespmem:s25+$0x30] =	vst v62  }
0x9e: {  	v33 =	vor.u32 v11, v33;
	v14 =	vld [tilespmem:$0x1FFF0];
	[tilespmem:s25+$0xFFFFFE20] =	vst v44;
	v49 =	vmul.f32 v16, v3  }
0x9f: {  	v22 =	vld.idx.msk [tilespmem:v22+s14+$0x0], $0xffff;
	[tilespmem:s25+$0x1A0] =	vst v13  }
0xa0: {  	v52 =	vld.idx.msk [tilespmem:v45+s14+$0x0], $0xffff;
	[tilespmem:s25+$0xFFFFFEA0] =	vst v49  }
0xa1: {  	v51 =	vmul.f32 v48, v5;
	v13 =	vld [tilespmem:$0x1FFE0];
	[tilespmem:s29+$0xFFFFFF00] =	vst v43  }
0xa2: {  	v15 =	vmul.f32 v15, v5;
	v12 =	vld.idx.msk [tilespmem:v12+s14+$0x0], $0xffff;
	[tilespmem:s26+$0xFFFFFF80] =	vst v35  }
0xa3: {  	v57 =	vmul.f32 v23, v0;
	v50 =	vld.idx.msk [tilespmem:v33+s14+$0x0], $0xffff;
	[tilespmem:s25+$0xFFFFFF30] =	vst v51  }
0xa4: {  	v34 =	vand.u32 $0xFFFFFFF8, v34;
	v60 =	vmul.f32 v32, v2;
	[tilespmem:s25+$0x130] =	vst v15;
	v59 =	vld.idx.msk [tilespmem:v38+s14+$0x0], $0xffff  }
0xa5: {  	v34 =	vor.u32 v9, v34;
	v56 =	vmul.f32 v52, v5;
	[tilespmem:s26+$0xFFFFFE80] =	vst v57;
	v54 =	vld.idx.msk [tilespmem:v18+s14+$0x0], $0xffff  }
0xa6: {  	[tilespmem:s26+$0x10] =	vst v60;
	v63 =	vld.idx.msk [tilespmem:v25+s14+$0x0], $0xffff;
	v25 =	vmul.f32 v28, v2  }
0xa7: {  	v55 =	vld.idx.msk [tilespmem:v19+s14+$0x0], $0xffff;
	[tilespmem:s25+$0xB0] =	vst v56;
	v12 =	vmul.f32 v12, v0  }
0xa8: {  	v17 =	vld.idx.msk [tilespmem:v17+s14+$0x0], $0xffff;
	v53 =	vmul.f32 v50, v5;
	[tilespmem:s26+$0x110] =	vst v25  }
0xa9: {  	[tilespmem:s26+$0x180] =	vst v12;
	v18 =	vmul.f32 v59, v5;
	v13 =	vld.idx.msk [tilespmem:v13+s14+$0x0], $0xffff  }
0xaa: {  	v26 =	vor.u32 v10, v26;
	[tilespmem:s25+$0x1B0] =	vst v53;
	v58 =	vld.idx.msk [tilespmem:v34+s14+$0x0], $0xffff;
	v34 =	vmul.f32 v22, v2  }
0xab: {  	v15 =	vmul.f32 v54, v2;
	[tilespmem:s25+$0xFFFFFEB0] =	vst v18  }
0xac: {  	v61 =	vadd.s32 s28, v6;
	v14 =	vld.idx.msk [tilespmem:v14+s14+$0x0], $0xffff;
	v16 =	vmul.f32 v55, v2;
	[tilespmem:s26+$0x90] =	vst v34  }
0xad: {  	v62 =	vand.u32 $0xFFFFFFF8, v61;
	v33 =	vld.idx.msk [tilespmem:v21+s14+$0x0], $0xffff;
	v35 =	vmul.f32 v63, v2;
	[tilespmem:s26+$0xFFFFFF10] =	vst v15  }
0xae: {  	v36 =	vld.idx.msk [tilespmem:v27+s14+$0x0], $0xffff;
	v12 =	vor.u32 v10, v62;
	[tilespmem:s26+$0xFFFFFF90] =	vst v16;
	v13 =	vmul.f32 v13, v5  }
0xaf: {  	v17 =	vmul.f32 v17, v3;
	v15 =	vld.idx.msk [tilespmem:v26+s14+$0x0], $0xffff;
	[tilespmem:s26+$0xFFFFFE90] =	vst v35  }
0xb0: {  	v28 =	vld.idx.msk [tilespmem:v20+s14+$0x0], $0xffff;
	[tilespmem:s25+$0xFFFFFE30] =	vst v13;
	v13 =	vmul.f32 v58, v2  }
0xb1: {  	v14 =	vmul.f32 v14, v5;
	[tilespmem:s26+$0x20] =	vst v17;
	v32 =	vld.idx.msk [tilespmem:v24+s14+$0x0], $0xffff  }
0xb2: {  	v48 =	vor.u32 v11, v37;
	v45 =	vld.idx.msk [tilespmem:v39+s14+$0x0], $0xffff;
	v46 =	vmul.f32 v33, v3;
	[tilespmem:s26+$0x190] =	vst v13  }
0xb3: {  	[tilespmem:s25+$0xFFFFFFB0] =	vst v14;
	v14 =	vmul.f32 v36, v3;
	v12 =	vld.idx.msk [tilespmem:v12+s14+$0x0], $0xffff  }
0xb4: {  	v38 =	vadd.s32 s28, v7;
	v47 =	vld.idx.msk [tilespmem:v40+s14+$0x0], $0xffff;
	[tilespmem:s26+$0x120] =	vst v46;
	v15 =	vmul.f32 v15, v3  }
0xb5: {  	v50 =	vor.u32 v11, v41;
	v18 =	vand.u32 $0xFFFFFFF8, v38;
	v52 =	vld.idx.msk [tilespmem:v42+s14+$0x0], $0xffff;
	[tilespmem:s26+$0xFFFFFE20] =	vst v14;
	v16 =	vmul.f32 v28, v3  }
0xb6: {  	v44 =	vor.u32 v11, v18;
	v56 =	vld.idx.msk [tilespmem:v29+s14+$0x0], $0xffff;
	v43 =	vmul.f32 v32, v3;
	[tilespmem:s26+$0xA0] =	vst v15  }
0xb7: {  	v53 =	vmul.f32 v45, v3;
	[tilespmem:s26+$0xFFFFFF20] =	vst v16;
	v16 =	vld.idx.msk [tilespmem:v48+s14+$0x0], $0xffff  }
0xb8: {  	[tilespmem:s26+$0xFFFFFFA0] =	vst v43;
	v49 =	vld.idx.msk [tilespmem:v30+s14+$0x0], $0xffff;
	v12 =	vmul.f32 v12, v3  }
0xb9: {  	v55 =	vmul.f32 v47, v5;
	[tilespmem:s26+$0xFFFFFEA0] =	vst v53;
	v51 =	vld.idx.msk [tilespmem:v31+s14+$0x0], $0xffff  }
0xba: {  	v58 =	vld.idx.msk [tilespmem:v50+s14+$0x0], $0xffff;
	v60 =	vmul.f32 v52, v5;
	[tilespmem:s26+$0x1A0] =	vst v12  }
0xbb: {  	[tilespmem:s26+$0x30] =	vst v55;
	v61 =	vmul.f32 v56, v5;
	v54 =	vld.idx.msk [tilespmem:v44+s14+$0x0], $0xffff  }
0xbc: {  	[tilespmem:s26+$0x130] =	vst v60;
	v62 =	vmul.f32 v16, v5  }
0xbd: {  	[tilespmem:s26+$0xFFFFFE30] =	vst v61;
	v57 =	vmul.f32 v49, v5  }
0xbe: {  	s0 =	smul.u32 $0x3800, s23;
	p1 =	sne.s32 s23, $0x1B;
	v59 =	vmul.f32 v51, v5;
	[tilespmem:s26+$0xB0] =	vst v62  }
.Ltmp1:
0xbf: {  	v63 =	vmul.f32 v58, v5;
	[tilespmem:s26+$0xFFFFFF30] =	vst v57;
	(pc) =	sbr.rel @p1 .LBB2_6-.Ltmp1, $4  }
0xc0: {  	s0 =	sadd.s32 s9, s0;
	[tilespmem:s26+$0xFFFFFFB0] =	vst v59;
	v14 =	vmul.f32 v54, v5  }
0xc1: {  	s0 =	sshrl.u32 s0, $0x3;
	[tilespmem:s26+$0xFFFFFEB0] =	vst v63  }
0xc2: {  	s0 =	sadd.s32 s5, s0;
	[tilespmem:s26+$0x1B0] =	vst v14  }
0xc3: {  	[hbm4b:s0+s3] =	stream.linear.scatter [tilespmem:s17], [sflag:$0x3], $0x1C00, $0x38;
	[tilespmem:$0x18880] =	vst v63  }
.Ltmp2:
0xc4: {  	(pc) =	sbr.rel .LBB2_7-.Ltmp2, $4  }
0xc5: {  	_ = 	snop  }
0xc6: {  	_ =	swait.ge [sflag:s18], $0xA800  }
0xc7: {  	[sflag:s18] =	ssyncset.done $0x0  }
0xc8: {  	[sflag:s18] =	ssyncadd.s32 $0xFFFF5800  }
.LBB2_6:
0xc9: {  	s0 =	smul.u32 $0x15000, s23;
	_ =	sdelay $0x1  }
0xca: {  	s0 =	sadd.s32 s0, s10  }
0xcb: {  	s0 =	sshrl.u32 s0, $0x3  }
.Ltmp3:
0xcc: {  	s0 =	sadd.s32 s1, s0;
	(pc) =	sbr.rel @p0 .LBB2_8-.Ltmp3, $4  }
0xcd: {  	[tilespmem:s14], [sflag:$0x1] =	stream.linear.gather [hbm4b:s0+s3], $0xA800, $0x38;
	[tilespmem:$0x18880] =	vst v63  }
0xce: {  	_ =	swait.ge [sflag:s18], $0xA800  }
0xcf: {  	[sflag:s18] =	ssyncset.done $0x0  }
0xd0: {  	[sflag:s18] =	ssyncadd.s32 $0xFFFF5800  }
.LBB2_7:
0xd1: {  	_ =	swait.ge [sflag:s19], $0x1C00  }
0xd2: {  	[sflag:s19] =	ssyncset.done $0x0  }
0xd3: {  	[sflag:s19] =	ssyncadd.s32 $0xFFFFE400  }
.LBB2_8:
0xd4: {  	s2 =	simm.s32 $0x0;
	s0 =	simm.s32 $0x80  }
0xd5: {  	s6 =	simm.s32 $0x180;
	s7 =	simm.s32 $0x200;
	s11 =	simm.s32 $0x300;
	v12 =	vadd.s32 s2, v1;
	v13 =	vadd.s32 s0, v1  }
0xd6: {  	s8 =	simm.s32 $0x100;
	s13 =	simm.s32 $0x280;
	v14 =	vadd.s32 s6, v1;
	v15 =	vadd.s32 s7, v1;
	v16 =	vadd.s32 s11, v1  }
0xd7: {  	v17 =	vadd.s32 s8, v1;
	v18 =	vadd.s32 s13, v1;
	v19 =	vadd.s32 s11, v7  }
0xd8: {  	v20 =	vadd.s32 s8, v4;
	v21 =	vadd.s32 s6, v6;
	v22 =	vadd.s32 s13, v4  }
0xd9: {  	v23 =	vadd.s32 s8, v6;
	v24 =	vadd.s32 s8, v7;
	v27 =	vadd.s32 s11, v4  }
0xda: {  	v25 =	vadd.s32 s2, v6;
	v29 =	vadd.s32 s13, v6;
	v30 =	vadd.s32 s2, v4  }
0xdb: {  	s26 =	simm.s32 $0x1800;
	v26 =	vadd.s32 s6, v4;
	v28 =	vadd.s32 s7, v4;
	v32 =	vadd.s32 s13, v7  }
0xdc: {  	v33 =	vadd.s32 s7, v7;
	v56 =	vadd.s32 s26, v6;
	v57 =	vadd.s32 s26, v4  }
0xdd: {  	v12 =	vand.u32 $0xFFFFFC78, v12;
	v14 =	vand.u32 $0xFFFFFDF8, v14;
	v15 =	vand.u32 $0xFFFFFE78, v15  }
0xde: {  	v16 =	vand.u32 $0xFFFFFF78, v16;
	v20 =	vand.u32 $0xFFFFFD78, v20;
	v23 =	vand.u32 $0xFFFFFD78, v23  }
0xdf: {  	v31 =	vand.u32 $0xFFFFFC78, v25;
	v25 =	vadd.s32 s7, v6;
	v22 =	vand.u32 $0xFFFFFEF8, v22  }
0xe0: {  	v26 =	vand.u32 $0xFFFFFDF8, v26;
	v24 =	vand.u32 $0xFFFFFD78, v24;
	v33 =	vand.u32 $0xFFFFFE78, v33  }
0xe1: {  	v34 =	vand.u32 $0xFFFFFE78, v28;
	v21 =	vand.u32 $0xFFFFFDF8, v21;
	v28 =	vadd.s32 s6, v7  }
0xe2: {  	s8 =	simm.s32 $0x1B00;
	v17 =	vand.u32 $0xFFFFFD78, v17;
	v13 =	vand.u32 $0xFFFFFCF8, v13;
	v19 =	vand.u32 $0xFFFFFF78, v19  }
0xe3: {  	s13 =	simm.s32 $0x1A80;
	v29 =	vand.u32 $0xFFFFFEF8, v29;
	v32 =	vand.u32 $0xFFFFFEF8, v32;
	v45 =	vadd.s32 s8, v1  }
0xe4: {  	v49 =	vadd.s32 s13, v1;
	v50 =	vadd.s32 s8, v7;
	v54 =	vadd.s32 s8, v4  }
0xe5: {  	v55 =	vadd.s32 s13, v6;
	v56 =	vand.u32 $0xFFFFFC78, v56;
	v12 =	vor.u32 v8, v12  }
0xe6: {  	v16 =	vor.u32 v8, v16;
	v25 =	vand.u32 $0xFFFFFE78, v25;
	v20 =	vor.u32 v9, v20  }
0xe7: {  	v35 =	vor.u32 v9, v26;
	v15 =	vor.u32 v8, v15;
	v26 =	vadd.s32 s11, v6  }
0xe8: {  	v36 =	vand.u32 $0xFFFFFDF8, v28;
	v14 =	vor.u32 v8, v14;
	v28 =	vor.u32 v10, v23  }
0xe9: {  	v17 =	vor.u32 v8, v17;
	v23 =	vor.u32 v10, v31;
	v38 =	vor.u32 v8, v13  }
0xea: {  	v31 =	vor.u32 v10, v21;
	v13 =	vand.u32 $0xFFFFFC78, v30;
	v22 =	vor.u32 v9, v22  }
0xeb: {  	s6 =	simm.s32 $0x1980;
	s7 =	simm.s32 $0x1A00;
	v21 =	vadd.s32 s0, v6;
	v41 =	vor.u32 v9, v34;
	v63 =	vor.u32 v11, v24  }
0xec: {  	v33 =	vor.u32 v11, v33;
	v44 =	vadd.s32 s7, v1;
	v51 =	vadd.s32 s6, v6;
	v16 =	vld.idx.msk [tilespmem:v16+s15+$0x0], $0xffff  }
0xed: {  	v58 =	vadd.s32 s6, v4;
	v59 =	vadd.s32 s7, v6;
	v60 =	vadd.s32 s7, v4  }
0xee: {  	v54 =	vand.u32 $0xFFFFFF78, v54;
	v25 =	vor.u32 v10, v25;
	v26 =	vand.u32 $0xFFFFFF78, v26  }
0xef: {  	s11 =	simm.s32 $0x1900;
	v30 =	vor.u32 v9, v13;
	v13 =	vand.u32 $0xFFFFFF78, v27;
	v21 =	vand.u32 $0xFFFFFCF8, v21;
	v12 =	vld.idx.msk [tilespmem:v12+s15+$0x0], $0xffff  }
0xf0: {  	v47 =	vadd.s32 s11, v1;
	v44 =	vand.u32 $0xFFFFFE78, v44;
	v52 =	vadd.s32 s11, v6  }
0xf1: {  	v53 =	vadd.s32 s11, v7;
	v15 =	vld.idx.msk [tilespmem:v15+s15+$0x0], $0xffff;
	v37 =	vmul.f32 v16, v0;
	v16 =	vand.u32 $0xFFFFFEF8, v18  }
0xf2: {  	v59 =	vand.u32 $0xFFFFFE78, v59;
	v58 =	vand.u32 $0xFFFFFDF8, v58;
	v16 =	vor.u32 v8, v16  }
0xf3: {  	v26 =	vor.u32 v10, v26;
	v27 =	vor.u32 v9, v13;
	v13 =	vadd.s32 s2, v7;
	v39 =	vld.idx.msk [tilespmem:v14+s15+$0x0], $0xffff  }
0xf4: {  	s2 =	simm.s32 $0x1880;
	v52 =	vand.u32 $0xFFFFFD78, v52;
	v53 =	vand.u32 $0xFFFFFD78, v53;
	v17 =	vld.idx.msk [tilespmem:v17+s15+$0x0], $0xffff;
	v12 =	vmul.f32 v12, v0  }
0xf5: {  	s25 =	simm.s32 $0x17030;
	v42 =	vadd.s32 s2, v1;
	v14 =	vand.u32 $0xFFFFFC78, v13;
	v18 =	vadd.s32 s0, v4  }
0xf6: {  	v40 =	vmul.f32 v15, v0;
	v15 =	vand.u32 $0xFFFFFCF8, v18;
	[tilespmem:s25+$0xFFFFFC50] =	vst v12;
	v12 =	vor.u32 v11, v14  }
0xf7: {  	v16 =	vld.idx.msk [tilespmem:v16+s15+$0x0], $0xffff;
	[tilespmem:$0x1FFC0] =	vst v12;
	v12 =	vor.u32 v11, v36;
	v36 =	vor.u32 v9, v15;
	v15 =	vadd.s32 s0, v7  }
0xf8: {  	v42 =	vand.u32 $0xFFFFFCF8, v42;
	s0 =	simm.s32 $0x380;
	[tilespmem:$0x1FFD0] =	vst v12;
	v34 =	vand.u32 $0xFFFFFCF8, v15;
	v15 =	vor.u32 v11, v19  }
0xf9: {  	v19 =	vadd.s32 s0, v1;
	v18 =	vld.idx.msk [tilespmem:v30+s15+$0x0], $0xffff;
	v30 =	vmul.f32 v39, v0;
	v39 =	vmul.f32 v17, v0  }
0xfa: {  	v17 =	vadd.s32 s0, v4;
	v19 =	vand.u32 $0xFFFFFFF8, v19;
	[tilespmem:s25+$0xFFFFFF50] =	vst v37;
	v37 =	vadd.s32 s13, v7  }
0xfb: {  	v38 =	vld.idx.msk [tilespmem:v38+s15+$0x0], $0xffff;
	v17 =	vand.u32 $0xFFFFFFF8, v17;
	v62 =	vor.u32 v8, v19;
	v19 =	vor.u32 v9, v58  }
0xfc: {  	[tilespmem:s25+$0xFFFFFE50] =	vst v40;
	v58 =	vand.u32 $0xFFFFFE78, v60;
	v37 =	vand.u32 $0xFFFFFEF8, v37;
	v46 =	vor.u32 v9, v17  }
0xfd: {  	v41 =	vld.idx.msk [tilespmem:v41+s15+$0x0], $0xffff;
	v17 =	vand.u32 $0xFFFFFF78, v45;
	v45 =	vadd.s32 s13, v4;
	v24 =	vmul.f32 v16, v0  }
0xfe: {  	v16 =	vor.u32 v10, v21;
	v21 =	vadd.s32 s26, v1;
	v17 =	vor.u32 v8, v17  }
0xff: {  	[tilespmem:s25+$0xFFFFFDD0] =	vst v30;
	v45 =	vand.u32 $0xFFFFFEF8, v45;
	v21 =	vand.u32 $0xFFFFFC78, v21;
	v43 =	vmul.f32 v18, v2  }
0x100: {  	v35 =	vld.idx.msk [tilespmem:v35+s15+$0x0], $0xffff;
	v18 =	vadd.s32 s6, v1;
	v21 =	vor.u32 v8, v21;
	v38 =	vmul.f32 v38, v0  }
0x101: {  	[tilespmem:s25+$0xFFFFFD50] =	vst v39;
	v48 =	vand.u32 $0xFFFFFDF8, v18;
	v18 =	vadd.s32 s11, v4;
	v39 =	vld.idx.msk [tilespmem:v62+s15+$0x0], $0xffff;
	v62 =	vand.u32 $0xFFFFFEF8, v49  }
0x102: {  	v49 =	vld.idx.msk [tilespmem:v20+s15+$0x0], $0xffff;
	v20 =	vor.u32 v10, v52;
	v41 =	vmul.f32 v41, v2;
	v18 =	vand.u32 $0xFFFFFD78, v18  }
0x103: {  	[tilespmem:s25+$0xFFFFFC60] =	vst v43;
	v43 =	vor.u32 v8, v44;
	v44 =	vand.u32 $0xFFFFFDF8, v51;
	v48 =	vor.u32 v8, v48;
	v61 =	vld.idx.msk [tilespmem:v17+s15+$0x0], $0xffff  }
0x104: {  	s28 =	simm.s32 $0x1B80;
	v51 =	vadd.s32 s2, v4;
	[tilespmem:s25+$0xFFFFFCD0] =	vst v38;
	v38 =	vor.u32 v11, v34;
	v17 =	vor.u32 v10, v59;
	v59 =	vld.idx.msk [tilespmem:v27+s15+$0x0], $0xffff  }
0x105: {  	[tilespmem:s25+$0xFFFFFED0] =	vst v24;
	v34 =	vadd.s32 s28, v4;
	v18 =	vor.u32 v9, v18;
	v27 =	vadd.s32 s7, v7;
	v60 =	vld.idx.msk [tilespmem:v23+s15+$0x0], $0xffff  }
0x106: {  	v23 =	vadd.s32 s6, v7;
	v24 =	vor.u32 v10, v44;
	v35 =	vmul.f32 v35, v2;
	v44 =	vld.idx.msk [tilespmem:v22+s15+$0x0], $0xffff  }
0x107: {  	v22 =	vor.u32 v9, v45;
	v40 =	vand.u32 $0xFFFFFE78, v27;
	v27 =	vld.idx.msk [tilespmem:v21+s15+$0x0], $0xffff;
	v21 =	vadd.s32 s8, v6  }
0x108: {  	v40 =	vor.u32 v11, v40;
	v21 =	vand.u32 $0xFFFFFF78, v21;
	v39 =	vmul.f32 v39, v0  }
0x109: {  	v49 =	vmul.f32 v49, v2;
	v21 =	vor.u32 v10, v21;
	v30 =	vmul.f32 v61, v0  }
0x10a: {  	[tilespmem:s25+$0xFFFFFE60] =	vst v41;
	v43 =	vld.idx.msk [tilespmem:v43+s15+$0x0], $0xffff;
	v61 =	vand.u32 $0xFFFFFDF8, v23;
	v23 =	vand.u32 $0xFFFFFD78, v47;
	v45 =	vmul.f32 v59, v2  }
0x10b: {  	v48 =	vld.idx.msk [tilespmem:v48+s15+$0x0], $0xffff;
	v47 =	vor.u32 v8, v62;
	v59 =	vadd.s32 s2, v6;
	[tilespmem:s25+$0xFFFFFFD0] =	vst v39;
	v44 =	vmul.f32 v44, v2  }
0x10c: {  	v62 =	vor.u32 v8, v23;
	v23 =	vor.u32 v8, v42;
	v42 =	vand.u32 $0xFFFFFF78, v50;
	v39 =	vld.idx.msk [tilespmem:v46+s15+$0x0], $0xffff;
	[tilespmem:s25+$0xFFFFFF60] =	vst v45  }
0x10d: {  	s29 =	simm.s32 $0x17430;
	[tilespmem:s25+$0xFFFFFDE0] =	vst v35;
	v50 =	vand.u32 $0xFFFFFC78, v57;
	v46 =	vor.u32 v10, v29;
	v52 =	vmul.f32 v27, v0;
	v57 =	vld.idx.msk [tilespmem:v26+s15+$0x0], $0xffff  }
0x10e: {  	v27 =	vor.u32 v10, v56;
	[tilespmem:s29+$0xFFFFFF50] =	vst v30;
	v30 =	vadd.s32 s26, v7;
	v26 =	vand.u32 $0xFFFFFEF8, v55;
	v55 =	vld.idx.msk [tilespmem:v25+s15+$0x0], $0xffff  }
0x10f: {  	[tilespmem:s25+$0xFFFFFD60] =	vst v49;
	v56 =	vand.u32 $0xFFFFFCF8, v59;
	v29 =	vand.u32 $0xFFFFFC78, v30;
	v30 =	vor.u32 v11, v53;
	v53 =	vld.idx.msk [tilespmem:v31+s15+$0x0], $0xffff  }
0x110: {  	v41 =	vor.u32 v9, v50;
	v59 =	vand.u32 $0xFFFFFCF8, v51;
	[tilespmem:s25+$0xFFFFFEE0] =	vst v44;
	v42 =	vor.u32 v11, v42;
	v45 =	vld.idx.msk [tilespmem:v47+s15+$0x0], $0xffff  }
0x111: {  	v44 =	vmul.f32 v60, v3;
	v25 =	vadd.s32 s0, v6;
	[tilespmem:s29+$0xFFFFFC50] =	vst v52;
	v52 =	vld.idx.msk [tilespmem:v28+s15+$0x0], $0xffff;
	v47 =	vor.u32 v9, v54  }
0x112: {  	v43 =	vmul.f32 v43, v0;
	v35 =	vmul.f32 v48, v0;
	v48 =	vld.idx.msk [tilespmem:v36+s15+$0x0], $0xffff;
	v54 =	vor.u32 v9, v58  }
0x113: {  	v31 =	vor.u32 v11, v61;
	v61 =	vadd.s32 s2, v7;
	v29 =	vor.u32 v11, v29;
	v58 =	vld.idx.msk [tilespmem:v62+s15+$0x0], $0xffff  }
0x114: {  	v25 =	vand.u32 $0xFFFFFFF8, v25;
	[tilespmem:s29+$0xFFFFFE50] =	vst v43;
	v36 =	vmul.f32 v39, v2;
	v49 =	vld.idx.msk [tilespmem:v46+s15+$0x0], $0xffff;
	v55 =	vmul.f32 v55, v3  }
0x115: {  	v39 =	vor.u32 v10, v56;
	v50 =	vld.idx.msk [tilespmem:v41+s15+$0x0], $0xffff;
	v51 =	vmul.f32 v57, v3;
	v62 =	vmul.f32 v45, v0  }
0x116: {  	v41 =	vand.u32 $0xFFFFFCF8, v61;
	v53 =	vmul.f32 v53, v3;
	v46 =	vmul.f32 v52, v3;
	v28 =	vld.idx.msk [tilespmem:v47+s15+$0x0], $0xffff;
	[tilespmem:s25+$0xFFFFFE70] =	vst v55  }
0x117: {  	v47 =	vor.u32 v10, v25;
	v45 =	vor.u32 v11, v32;
	v32 =	vld.idx.msk [tilespmem:v54+s15+$0x0], $0xffff;
	[tilespmem:s29+$0xFFFFFED0] =	vst v62;
	v62 =	vadd.s32 s0, v7  }
0x118: {  	s30 =	simm.s32 $0x8;
	s31 =	simm.s32 $0x3380;
	s26 =	simm.s32 $0x17430;
	v25 =	vor.u32 v9, v59;
	[tilespmem:s25+$0xFFFFFDF0] =	vst v53;
	v43 =	vmul.f32 v58, v0;
	v52 =	vld.idx.msk [tilespmem:v33+s15+$0x0], $0xffff;
	v33 =	vand.u32 $0xFFFFFFF8, v62  }
.LBB2_9:
0x119: {  	s2 =	sadd.s32 $0xFFFFFC80, s31;
	v53 =	vadd.s32 s28, v1;
	v54 =	vand.u32 $0xFFFFFFF8, v34  }
0x11a: {  	s0 =	sadd.s32 $0xFFFFFD00, s31;
	v55 =	vor.u32 v11, v33;
	s13 =	sadd.s32 $0xFFFFFE00, s31;
	s7 =	sadd.s32 $0xFFFFFE80, s31;
	v26 =	vor.u32 v10, v26;
	v61 =	vadd.s32 s2, v1  }
0x11b: {  	v33 =	vmovc v40;
	s8 =	sadd.s32 $0xFFFFFF00, s31;
	s6 =	sadd.s32 $0xFFFFFF80, s31;
	v12 =	vld [tilespmem:$0x1FFD0];
	v40 =	vadd.s32 s0, v1;
	v62 =	vadd.s32 s13, v1;
	v60 =	vadd.s32 s7, v1  }
0x11c: {  	v34 =	vmovc v37;
	[tilespmem:s25+$0xFFFFFF70] =	vst v51;
	v57 =	vadd.s32 s6, v1;
	v37 =	vor.u32 v9, v54;
	v51 =	vadd.s32 s8, v1  }
0x11d: {  	v13 =	vmovc v29;
	v54 =	vadd.s32 s6, v7;
	v59 =	vadd.s32 s13, v6;
	v29 =	vadd.s32 s7, v4  }
0x11e: {  	[tilespmem:s25+$0xFFFFFFE0] =	vst v36;
	v36 =	vmovc v41;
	v61 =	vand.u32 $0xFFFFFC78, v61;
	v41 =	vand.u32 $0xFFFFFDF8, v62;
	v50 =	vmul.f32 v50, v2  }
0x11f: {  	[tilespmem:s25+$0xFFFFFD70] =	vst v46;
	v57 =	vand.u32 $0xFFFFFF78, v57;
	v29 =	vand.u32 $0xFFFFFE78, v29;
	v48 =	vmul.f32 v48, v2  }
0x120: {  	v56 =	vld.idx.msk [tilespmem:v15+s15+$0x0], $0xffff;
	v15 =	vmovc v42;
	v59 =	vand.u32 $0xFFFFFDF8, v59;
	v51 =	vand.u32 $0xFFFFFEF8, v51;
	v62 =	vmul.f32 v49, v3;
	[tilespmem:s29+$0xFFFFFC60] =	vst v50  }
0x121: {  	v47 =	vld.idx.msk [tilespmem:v47+s15+$0x0], $0xffff;
	v40 =	vand.u32 $0xFFFFFCF8, v40;
	v42 =	vor.u32 v8, v61;
	v52 =	vmul.f32 v52, v5;
	[tilespmem:s25+$0xFFFFFCE0] =	vst v48  }
0x122: {  	s11 =	sadd.s32 $0xFFFFFD80, s31;
	v61 =	vadd.s32 s6, v4;
	v32 =	vmul.f32 v32, v2;
	v49 =	vand.u32 $0xFFFFFE78, v60;
	[tilespmem:s25+$0xFFFFFEF0] =	vst v62;
	v62 =	vld.idx.msk [tilespmem:v63+s15+$0x0], $0xffff  }
0x123: {  	v60 =	vadd.s32 s11, v7;
	v28 =	vmul.f32 v28, v2;
	[tilespmem:s25+$0xFFFFFE80] =	vst v52;
	v52 =	vand.u32 $0xFFFFFFF8, v53;
	v53 =	vld.idx.msk [tilespmem:v12+s15+$0x0], $0xffff;
	v12 =	vmovc v31  }
0x124: {  	v49 =	vor.u32 v8, v49;
	v50 =	vadd.s32 s11, v1;
	v48 =	vor.u32 v8, v57;
	[tilespmem:$0x1FFD0] =	vst v12;
	v12 =	vld [tilespmem:$0x1FFC0]  }
0x125: {  	v57 =	vadd.s32 s8, v4;
	v63 =	vadd.s32 s2, v6;
	v56 =	vmul.f32 v56, v5;
	v58 =	vld.idx.msk [tilespmem:v16+s15+$0x0], $0xffff  }
0x126: {  	v16 =	vmovc v39;
	v39 =	vld.idx.msk [tilespmem:v27+s15+$0x0], $0xffff;
	v27 =	vadd.s32 s11, v4;
	v46 =	vmul.f32 v47, v3;
	v47 =	vadd.s32 s11, v6  }
0x127: {  	[tilespmem:s29+$0xFFFFFD50] =	vst v43;
	v57 =	vand.u32 $0xFFFFFEF8, v57;
	v43 =	vor.u32 v8, v52;
	v52 =	vand.u32 $0xFFFFFD78, v60  }
0x128: {  	v14 =	vmovc v30;
	v45 =	vld.idx.msk [tilespmem:v45+s15+$0x0], $0xffff;
	[tilespmem:s25+$0xFFFFFC70] =	vst v44;
	v50 =	vand.u32 $0xFFFFFD78, v50;
	v27 =	vand.u32 $0xFFFFFD78, v27;
	v30 =	vand.u32 $0xFFFFFD78, v47  }
0x129: {  	v47 =	vadd.s32 s8, v6;
	v31 =	vadd.s32 s2, v4;
	v42 =	vld.idx.msk [tilespmem:v42+s15+$0x0], $0xffff;
	[tilespmem:s25+$0xFFFFFFF0] =	vst v46;
	v46 =	vand.u32 $0xFFFFFC78, v63  }
0x12a: {  	v63 =	vadd.s32 s7, v6;
	[tilespmem:$0x1FFC0] =	vst v13;
	v27 =	vor.u32 v9, v27;
	v13 =	vadd.s32 s7, v7;
	v55 =	vld.idx.msk [tilespmem:v55+s15+$0x0], $0xffff  }
0x12b: {  	v63 =	vand.u32 $0xFFFFFE78, v63;
	v13 =	vand.u32 $0xFFFFFE78, v13;
	v48 =	vld.idx.msk [tilespmem:v48+s15+$0x0], $0xffff;
	v44 =	vmul.f32 v58, v3  }
0x12c: {  	[tilespmem:s26+$0xFFFFFDD0] =	vst v35;
	v60 =	vmul.f32 v62, v5;
	v62 =	vadd.s32 s0, v4;
	v58 =	vadd.s32 s13, v4;
	v12 =	vld.idx.msk [tilespmem:v12+s15+$0x0], $0xffff  }
0x12d: {  	v49 =	vld.idx.msk [tilespmem:v49+s15+$0x0], $0xffff;
	v45 =	vmul.f32 v45, v5;
	v58 =	vand.u32 $0xFFFFFDF8, v58;
	v35 =	vmul.f32 v53, v5;
	[tilespmem:s25+$0xFFFFFCF0] =	vst v44  }
0x12e: {  	v53 =	vadd.s32 s6, v6;
	[tilespmem:s25+$0xFFFFFD80] =	vst v60;
	v60 =	vadd.s32 s13, v7;
	v44 =	vor.u32 v10, v63;
	v38 =	vld.idx.msk [tilespmem:v38+s15+$0x0], $0xffff  }
0x12f: {  	v43 =	vld.idx.msk [tilespmem:v43+s15+$0x0], $0xffff;
	v63 =	vadd.s32 s8, v7;
	v58 =	vor.u32 v9, v58;
	[tilespmem:s25+$0xFFFFFE00] =	vst v35;
	v55 =	vmul.f32 v55, v5  }
0x130: {  	[tilespmem:s25+$0xFFFFFF80] =	vst v56;
	v53 =	vand.u32 $0xFFFFFF78, v53;
	v60 =	vand.u32 $0xFFFFFDF8, v60;
	v35 =	vmul.f32 v48, v0;
	v48 =	vld.idx.msk [tilespmem:v19+s15+$0x0], $0xffff  }
0x131: {  	s29 =	sadd.s32 $0x400, s29;
	[tilespmem:s25+$0x0] =	vst v55;
	v55 =	vor.u32 v10, v30;
	v30 =	vor.u32 v8, v41;
	v12 =	vmul.f32 v12, v5  }
0x132: {  	v56 =	vld.idx.msk [tilespmem:v18+s15+$0x0], $0xffff;
	v18 =	vmov v27;
	v27 =	vor.u32 v10, v46;
	v41 =	vor.u32 v8, v51;
	[tilespmem:s29+$0xFFFFFF50] =	vst v35  }
0x133: {  	v46 =	vand.u32 $0xFFFFFF78, v54;
	v53 =	vor.u32 v10, v53;
	v38 =	vmul.f32 v38, v5;
	[tilespmem:s25+$0xFFFFFC80] =	vst v12;
	v12 =	vld.idx.msk [tilespmem:v23+s15+$0x0], $0xffff  }
0x134: {  	v19 =	vmov v58;
	v58 =	vmul.f32 v42, v0;
	v23 =	vor.u32 v8, v40;
	v40 =	vld.idx.msk [tilespmem:v22+s15+$0x0], $0xffff;
	[tilespmem:s25+$0xFFFFFF00] =	vst v45  }
0x135: {  	v42 =	vor.u32 v8, v50;
	v43 =	vmul.f32 v43, v0;
	v35 =	vmul.f32 v48, v2;
	[tilespmem:s25+$0xFFFFFD00] =	vst v38  }
0x136: {  	v48 =	vld.idx.msk [tilespmem:v30+s15+$0x0], $0xffff;
	v30 =	vand.u32 $0xFFFFFF78, v61;
	v22 =	vor.u32 v9, v57;
	s25 =	smov.u32 s26;
	v57 =	vand.u32 $0xFFFFFEF8, v47;
	[tilespmem:s29+$0xFFFFFC50] =	vst v58  }
0x137: {  	v45 =	vmul.f32 v49, v0;
	v58 =	vor.u32 v10, v59;
	v59 =	vadd.s32 s0, v6;
	v38 =	vld.idx.msk [tilespmem:v41+s15+$0x0], $0xffff;
	[tilespmem:s25+$0xFFFFFF60] =	vst v28  }
0x138: {  	v41 =	vor.u32 v9, v30;
	v28 =	vand.u32 $0xFFFFFC78, v31;
	[tilespmem:s25+$0xFFFFFE60] =	vst v32;
	v30 =	vor.u32 v11, v52;
	v32 =	vld.idx.msk [tilespmem:v21+s15+$0x0], $0xffff  }
0x139: {  	[tilespmem:s25+$0xFFFFFFD0] =	vst v43;
	v31 =	vor.u32 v11, v60;
	v54 =	vand.u32 $0xFFFFFCF8, v59;
	v21 =	vmul.f32 v56, v2;
	v51 =	vld.idx.msk [tilespmem:v17+s15+$0x0], $0xffff  }
0x13a: {  	[tilespmem:s25+$0xFFFFFDE0] =	vst v35;
	v59 =	vor.u32 v9, v29;
	v49 =	vor.u32 v9, v28;
	v17 =	vadd.s32 s28, v6;
	v43 =	vld.idx.msk [tilespmem:v37+s15+$0x0], $0xffff  }
0x13b: {  	v28 =	vadd.s32 s2, v7;
	v56 =	vld.idx.msk [tilespmem:v42+s15+$0x0], $0xffff;
	v37 =	vand.u32 $0xFFFFFEF8, v63;
	v63 =	vmovc v14;
	[tilespmem:s25+$0xFFFFFD60] =	vst v21;
	v12 =	vmul.f32 v12, v0  }
0x13c: {  	v14 =	vand.u32 $0xFFFFFCF8, v62;
	[tilespmem:s29+$0xFFFFFE50] =	vst v45;
	v45 =	vor.u32 v11, v34;
	v42 =	vor.u32 v11, v46;
	v61 =	vld.idx.msk [tilespmem:v20+s15+$0x0], $0xffff  }
0x13d: {  	v28 =	vand.u32 $0xFFFFFC78, v28;
	v35 =	vmul.f32 v48, v0;
	v21 =	vmul.f32 v40, v2;
	[tilespmem:s25+$0xFFFFFCD0] =	vst v12;
	v12 =	vld.idx.msk [tilespmem:v24+s15+$0x0], $0xffff  }
0x13e: {  	s30 =	sadd.s32 $0x8, s30;
	v29 =	vor.u32 v11, v28;
	v40 =	vor.u32 v11, v13;
	v13 =	vmul.f32 v38, v0;
	v28 =	vld.idx.msk [tilespmem:v41+s15+$0x0], $0xffff  }
0x13f: {  	p0 =	slt.u32 s30, $0x30;
	v38 =	vor.u32 v11, v36;
	v24 =	vand.u32 $0xFFFFFFF8, v17;
	v17 =	vmovc v44;
	[tilespmem:s25+$0xFFFFFEE0] =	vst v21;
	v36 =	vmul.f32 v43, v2  }
.Ltmp4:
0x140: {  	v50 =	vld.idx.msk [tilespmem:v49+s15+$0x0], $0xffff;
	v44 =	vmul.f32 v39, v3;
	v43 =	vmul.f32 v56, v0;
	v39 =	vor.u32 v10, v54;
	(pc) =	sbr.rel @p0 .LBB2_9-.Ltmp4, $4  }
0x141: {  	v47 =	vor.u32 v10, v24;
	v24 =	vadd.s32 s0, v7;
	[tilespmem:s29+$0xFFFFFED0] =	vst v13;
	v48 =	vld.idx.msk [tilespmem:v25+s15+$0x0], $0xffff;
	v13 =	vmul.f32 v51, v3  }
0x142: {  	v25 =	vor.u32 v9, v14;
	v51 =	vmul.f32 v32, v3;
	v32 =	vld.idx.msk [tilespmem:v59+s15+$0x0], $0xffff;
	v12 =	vmul.f32 v12, v3  }
0x143: {  	v20 =	vmovc v55;
	v21 =	vmovc v53;
	v41 =	vand.u32 $0xFFFFFCF8, v24;
	v49 =	vld.idx.msk [tilespmem:v26+s15+$0x0], $0xffff;
	v26 =	vmov v57;
	[tilespmem:s25+$0xFFFFFE70] =	vst v13;
	v13 =	vadd.s32 s28, v7;
	s28 =	smov.u32 s31  }
0x144: {  	s26 =	smov.u32 s29;
	v46 =	vmul.f32 v61, v3;
	s31 =	sadd.s32 $0x1800, s31;
	v24 =	vmovc v58;
	v34 =	vadd.s32 s28, v4;
	v52 =	vld.idx.msk [tilespmem:v33+s15+$0x0], $0xffff;
	v33 =	vand.u32 $0xFFFFFFF8, v13;
	[tilespmem:s25+$0xFFFFFDF0] =	vst v12  }
0x145: {  	_ =	sdelay $0x1  }
0x146: {  	v12 =	vmul.f32 v48, v2  }
0x147: {  	[tilespmem:s25+$0xFFFFFFE0] =	vst v36  }
0x148: {  	v13 =	vld.idx.msk [tilespmem:v47+s15+$0x0], $0xffff;
	[tilespmem:s25+$0xFFFFFCE0] =	vst v12  }
0x149: {  	v59 =	vmul.f32 v50, v2;
	[tilespmem:s25+$0xFFFFFF70] =	vst v51;
	v16 =	vld.idx.msk [tilespmem:v16+s15+$0x0], $0xffff  }
0x14a: {  	[tilespmem:s25+$0xFFFFFD70] =	vst v46;
	v61 =	vmul.f32 v49, v3  }
0x14b: {  	v60 =	vadd.s32 s28, v1;
	v23 =	vld.idx.msk [tilespmem:v23+s15+$0x0], $0xffff;
	[tilespmem:s29+$0xFFFFFC60] =	vst v59;
	v62 =	vmul.f32 v52, v5  }
0x14c: {  	v48 =	vld.idx.msk [tilespmem:v63+s15+$0x0], $0xffff;
	v12 =	vand.u32 $0xFFFFFFF8, v60;
	[tilespmem:s25+$0xFFFFFEF0] =	vst v61  }
0x14d: {  	v15 =	vld.idx.msk [tilespmem:v15+s15+$0x0], $0xffff;
	v12 =	vor.u32 v8, v12;
	v13 =	vmul.f32 v13, v3;
	[tilespmem:s25+$0xFFFFFE80] =	vst v62  }
0x14e: {  	v33 =	vor.u32 v11, v33;
	v14 =	vld [tilespmem:$0x1FFD0];
	[tilespmem:s25+$0xFFFFFC70] =	vst v44;
	v49 =	vmul.f32 v16, v3  }
0x14f: {  	v22 =	vld.idx.msk [tilespmem:v22+s15+$0x0], $0xffff;
	[tilespmem:s25+$0xFFFFFFF0] =	vst v13  }
0x150: {  	v52 =	vld.idx.msk [tilespmem:v45+s15+$0x0], $0xffff;
	[tilespmem:s25+$0xFFFFFCF0] =	vst v49  }
0x151: {  	v51 =	vmul.f32 v48, v5;
	v13 =	vld [tilespmem:$0x1FFC0];
	[tilespmem:s29+$0xFFFFFD50] =	vst v43  }
0x152: {  	v15 =	vmul.f32 v15, v5;
	v12 =	vld.idx.msk [tilespmem:v12+s15+$0x0], $0xffff;
	[tilespmem:s26+$0xFFFFFDD0] =	vst v35  }
0x153: {  	v57 =	vmul.f32 v23, v0;
	v50 =	vld.idx.msk [tilespmem:v33+s15+$0x0], $0xffff;
	[tilespmem:s25+$0xFFFFFD80] =	vst v51  }
0x154: {  	v34 =	vand.u32 $0xFFFFFFF8, v34;
	v60 =	vmul.f32 v32, v2;
	[tilespmem:s25+$0xFFFFFF80] =	vst v15;
	v59 =	vld.idx.msk [tilespmem:v38+s15+$0x0], $0xffff  }
0x155: {  	v34 =	vor.u32 v9, v34;
	v56 =	vmul.f32 v52, v5;
	[tilespmem:s26+$0xFFFFFCD0] =	vst v57;
	v54 =	vld.idx.msk [tilespmem:v18+s15+$0x0], $0xffff  }
0x156: {  	[tilespmem:s26+$0xFFFFFE60] =	vst v60;
	v63 =	vld.idx.msk [tilespmem:v25+s15+$0x0], $0xffff;
	v25 =	vmul.f32 v28, v2  }
0x157: {  	v55 =	vld.idx.msk [tilespmem:v19+s15+$0x0], $0xffff;
	[tilespmem:s25+$0xFFFFFF00] =	vst v56;
	v12 =	vmul.f32 v12, v0  }
0x158: {  	v17 =	vld.idx.msk [tilespmem:v17+s15+$0x0], $0xffff;
	v53 =	vmul.f32 v50, v5;
	[tilespmem:s26+$0xFFFFFF60] =	vst v25  }
0x159: {  	[tilespmem:s26+$0xFFFFFFD0] =	vst v12;
	v18 =	vmul.f32 v59, v5;
	v13 =	vld.idx.msk [tilespmem:v13+s15+$0x0], $0xffff  }
0x15a: {  	v26 =	vor.u32 v10, v26;
	[tilespmem:s25+$0x0] =	vst v53;
	v58 =	vld.idx.msk [tilespmem:v34+s15+$0x0], $0xffff;
	v34 =	vmul.f32 v22, v2  }
0x15b: {  	v15 =	vmul.f32 v54, v2;
	[tilespmem:s25+$0xFFFFFD00] =	vst v18  }
0x15c: {  	v61 =	vadd.s32 s28, v6;
	v14 =	vld.idx.msk [tilespmem:v14+s15+$0x0], $0xffff;
	v16 =	vmul.f32 v55, v2;
	[tilespmem:s26+$0xFFFFFEE0] =	vst v34  }
0x15d: {  	v62 =	vand.u32 $0xFFFFFFF8, v61;
	v33 =	vld.idx.msk [tilespmem:v21+s15+$0x0], $0xffff;
	v35 =	vmul.f32 v63, v2;
	[tilespmem:s26+$0xFFFFFD60] =	vst v15  }
0x15e: {  	v36 =	vld.idx.msk [tilespmem:v27+s15+$0x0], $0xffff;
	v12 =	vor.u32 v10, v62;
	[tilespmem:s26+$0xFFFFFDE0] =	vst v16;
	v13 =	vmul.f32 v13, v5  }
0x15f: {  	v17 =	vmul.f32 v17, v3;
	v15 =	vld.idx.msk [tilespmem:v26+s15+$0x0], $0xffff;
	[tilespmem:s26+$0xFFFFFCE0] =	vst v35  }
0x160: {  	v28 =	vld.idx.msk [tilespmem:v20+s15+$0x0], $0xffff;
	[tilespmem:s25+$0xFFFFFC80] =	vst v13;
	v13 =	vmul.f32 v58, v2  }
0x161: {  	v14 =	vmul.f32 v14, v5;
	[tilespmem:s26+$0xFFFFFE70] =	vst v17;
	v32 =	vld.idx.msk [tilespmem:v24+s15+$0x0], $0xffff  }
0x162: {  	v48 =	vor.u32 v11, v37;
	v45 =	vld.idx.msk [tilespmem:v39+s15+$0x0], $0xffff;
	v46 =	vmul.f32 v33, v3;
	[tilespmem:s26+$0xFFFFFFE0] =	vst v13  }
0x163: {  	[tilespmem:s25+$0xFFFFFE00] =	vst v14;
	v14 =	vmul.f32 v36, v3;
	v12 =	vld.idx.msk [tilespmem:v12+s15+$0x0], $0xffff  }
0x164: {  	v38 =	vadd.s32 s28, v7;
	v47 =	vld.idx.msk [tilespmem:v40+s15+$0x0], $0xffff;
	[tilespmem:s26+$0xFFFFFF70] =	vst v46;
	v15 =	vmul.f32 v15, v3  }
0x165: {  	v50 =	vor.u32 v11, v41;
	v18 =	vand.u32 $0xFFFFFFF8, v38;
	v52 =	vld.idx.msk [tilespmem:v42+s15+$0x0], $0xffff;
	[tilespmem:s26+$0xFFFFFC70] =	vst v14;
	v16 =	vmul.f32 v28, v3  }
0x166: {  	v44 =	vor.u32 v11, v18;
	v56 =	vld.idx.msk [tilespmem:v29+s15+$0x0], $0xffff;
	v43 =	vmul.f32 v32, v3;
	[tilespmem:s26+$0xFFFFFEF0] =	vst v15  }
0x167: {  	v53 =	vmul.f32 v45, v3;
	[tilespmem:s26+$0xFFFFFD70] =	vst v16;
	v16 =	vld.idx.msk [tilespmem:v48+s15+$0x0], $0xffff  }
0x168: {  	[tilespmem:s26+$0xFFFFFDF0] =	vst v43;
	v49 =	vld.idx.msk [tilespmem:v30+s15+$0x0], $0xffff;
	v12 =	vmul.f32 v12, v3  }
0x169: {  	v55 =	vmul.f32 v47, v5;
	[tilespmem:s26+$0xFFFFFCF0] =	vst v53;
	v51 =	vld.idx.msk [tilespmem:v31+s15+$0x0], $0xffff  }
0x16a: {  	v58 =	vld.idx.msk [tilespmem:v50+s15+$0x0], $0xffff;
	v60 =	vmul.f32 v52, v5;
	[tilespmem:s26+$0xFFFFFFF0] =	vst v12  }
0x16b: {  	[tilespmem:s26+$0xFFFFFE80] =	vst v55;
	v61 =	vmul.f32 v56, v5;
	v54 =	vld.idx.msk [tilespmem:v44+s15+$0x0], $0xffff  }
0x16c: {  	[tilespmem:s26+$0xFFFFFF80] =	vst v60;
	v62 =	vmul.f32 v16, v5  }
0x16d: {  	s23 =	sadd.s32 $0x1, s23;
	[tilespmem:s26+$0xFFFFFC80] =	vst v61;
	v57 =	vmul.f32 v49, v5  }
0x16e: {  	s0 =	smul.u32 $0x1C00, s24;
	p0 =	sne.s32 s23, $0x1C;
	v59 =	vmul.f32 v51, v5;
	[tilespmem:s26+$0xFFFFFF00] =	vst v62  }
.Ltmp5:
0x16f: {  	v63 =	vmul.f32 v58, v5;
	[tilespmem:s26+$0xFFFFFD80] =	vst v57;
	(pc) =	sbr.rel @p0 .LBB2_2-.Ltmp5, $4  }
0x170: {  	s0 =	sadd.s32 s9, s0;
	[tilespmem:s26+$0xFFFFFE00] =	vst v59;
	v14 =	vmul.f32 v54, v5  }
0x171: {  	s0 =	sshrl.u32 s0, $0x3;
	[tilespmem:s26+$0xFFFFFD00] =	vst v63  }
0x172: {  	s0 =	sadd.s32 s5, s0;
	[tilespmem:s26+$0x0] =	vst v14  }
0x173: {  	[hbm4b:s0+s3] =	stream.linear.scatter [tilespmem:s20], [sflag:$0x4], $0x1C00, $0x38;
	[tilespmem:$0x18880] =	vst v63  }
0x174: {  	_ =	swait.ge [sflag:s21], $0x1C00  }
0x175: {  	[sflag:s21] =	ssyncset.done $0x0  }
0x176: {  	[sflag:s21] =	ssyncadd.s32 $0xFFFFE400  }
0x177: {  	_ =	swait.ge [sflag:s19], $0x1C00  }
0x178: {  	s22 =	sadd.s32 $0x1, s22;
	s0 =	rddreg [dreg:$0x7]  }
0x179: {  	p0 =	sne.s32 s22, s0  }
.Ltmp6:
0x17a: {  	_ = 	snop;
	(pc) =	sbr.rel @p0 .LBB2_1-.Ltmp6, $3  }
0x17b: {  	_ =	sdelay $0x1  }
0x17c: {  	[sflag:s19] =	ssyncset.done $0x0  }
0x17d: {  	[sflag:s19] =	ssyncadd.s32 $0xFFFFE400  }
0x17e: {  	_ =	sfence.sel $0x180000  }
0x17f: {  	[bflag:$0x0] =	sbarrier.arrive $0xFFFF  }
0x180: {  	_ =	strace $0x90000047  }
0x181: {  	s0 =	stileid.u32;
	[bflag:$0x2] =	sbarrier.arrive $0xFFFF  }
0x182: {  	p0 =	sne.s32 s0, $0x0;
	s0 =	rddreg [dreg:$0x3]  }
0x183: {  	s0 =	sadd.s32 @!p0 $0x100000, s0  }
0x184: {  	[sflag:s0] =	ssyncadd.tile.s32 @!p0 $0x1;
	_ =	shalt  }
.Lfunc_end2:
_tile_overlayer_lowered:
.L_overlay_start_2:
0x185: {  	(tag) =	ssettag $0x2  }
0x186: {  	s0 =	rddreg [dreg:$0x0];
	s2 =	stileid.u32  }
0x187: {  	s1 =	rddreg [dreg:$0x1];
	p0 =	sne.s32 s2, $0x0  }
0x188: {  	s3 =	rddreg [dreg:$0x2];
	[bflag:$0x3] =	sbarrier.arrive $0xFFFF;
	s2 =	simm.s32 @!p0 $0x1C05  }
0x189: {  	[timem:s3], [sflag:s2] =	dma.local @!p0 [hbm:s0], s1  }
0x18a: {  	s0 =	simm.s32 @!p0 $0x5  }
0x18b: {  	_ =	swait.ge @!p0 [sflag:s0], s1  }
0x18c: {  	s1 =	ssub.s32 @!p0 $0x0, s1;
	[sflag:s0] =	ssyncset.done @!p0 $0x0  }
0x18d: {  	[sflag:s0] =	ssyncadd.s32 @!p0 s1  }
0x18e: {  	[bflag:$0x3] =	sbarrier.arrive $0xFFFF  }
0x18f: {  	_ =	shalt  }

</sc_bundles>
